<compile_context>
chip_gen: v7x
topology: tpu7x:2x2x1
jax: 0.10.2.dev20260603
libtpu: 0.0.44.dev20260713+nightly
codegen_flags: <defaults>
</compile_context>

<pallas_src>
import functools

import jax
import jax.numpy as jnp
from jax import lax
from jax.experimental import pallas as pl
from jax.experimental.pallas import tpu as pltpu
from jax.experimental.pallas import tpu_sc as plsc

_D = 1000
_DP = 1024
_B = 1024 * 50
_NC = 2
_NS = 16
_NW = _NC * _NS
_BPW = _B // _NW
_CHUNK = 32
_NBUF = 2
_NCHUNK = _BPW // _CHUNK

_mesh = plsc.VectorSubcoreMesh(core_axis_name="c", subcore_axis_name="s")


@functools.partial(
    pl.kernel,
    mesh=_mesh,
    out_type=jax.ShapeDtypeStruct((_B, _DP), jnp.float32),
    scratch_types=[
        pltpu.VMEM((_NCHUNK, _CHUNK), jnp.int32),
        pltpu.VMEM((_NBUF, _CHUNK, _DP), jnp.float32),
    ] + [pltpu.SemaphoreType.DMA] * (2 * _NBUF),
)
def _gather_rows(t_hbm, idx_hbm, out_hbm, idx_v, rows_v, *sems):
    wid = lax.axis_index("s") * _NC + lax.axis_index("c")
    pltpu.sync_copy(idx_hbm.at[wid], idx_v)
    base = wid * _BPW
    rows = tuple(rows_v.at[b] for b in range(_NBUF))
    gs = sems[:_NBUF]
    ss = sems[_NBUF:]

    def start_gather(c, b):
        pltpu.async_copy(t_hbm.at[idx_v.at[c]], rows[b], gs[b])

    def wait_gather(b):
        pltpu.make_async_copy(t_hbm.at[pl.ds(0, _CHUNK)], rows[b],
                              gs[b]).wait()

    def start_scatter(c, b):
        pltpu.async_copy(rows[b], out_hbm.at[pl.ds(base + c * _CHUNK, _CHUNK)],
                         ss[b])

    def wait_scatter(b):
        pltpu.make_async_copy(rows[b], out_hbm.at[pl.ds(base, _CHUNK)],
                              ss[b]).wait()

    for b in range(_NBUF):
        start_gather(b, b)

    def group(p, carry):
        c0 = _NBUF * p
        for b in range(_NBUF):
            c = c0 + b
            wait_gather(b)
            start_scatter(c, b)

            @pl.when(c + _NBUF < _NCHUNK)
            def _():
                wait_scatter(b)
                start_gather(c + _NBUF, b)

        return carry

    lax.fori_loop(0, _NCHUNK // _NBUF, group, 0)
    for b in range(_NBUF):
        wait_scatter(b)


def kernel(x, table):
    idx = x.reshape(-1).astype(jnp.int32).reshape(_NW, _NCHUNK, _CHUNK)
    table_pad = jnp.pad(table, ((0, 0), (0, _DP - _D)))
    return _gather_rows(table_pad, idx)[:, :_D]

# --- scband reference (transcript-rebuilt; emitter-appended) ---
"""Pipeline reference for scband-bi-gram-model-33792802685686 (READ-ONLY COPY).

The authoritative reference and input builder live on the scoring server;
editing this copy changes nothing except your own understanding.
"""

import jax, jax.numpy as jnp
import numpy as np

VOCAB = 1000
B = 1024
L = 50

def setup_inputs(seed: int = 0) -> dict:
    key = jax.random.key(seed)
    k1, k2 = jax.random.split(key)
    x = jax.random.randint(k1, (B, L), 0, VOCAB, dtype=jnp.int64) if jax.config.jax_enable_x64 else jax.random.randint(k1, (B, L), 0, VOCAB, dtype=jnp.int32)
    table = jax.random.normal(k2, (VOCAB, VOCAB), dtype=jnp.float32)
    return {"x": x, "table": table}

def reference(x, table):
    # nn.Embedding lookup: logits[b, l, :] = table[x[b, l], :]
    logits = jnp.take(table, x, axis=0)  # [B, L, VOCAB]
    n_samples, sample_length, vocab_size = logits.shape
    logits = logits.reshape(n_samples * sample_length, vocab_size)
    return logits

if __name__ == "__main__":
    import jax
    _d = setup_inputs()
    print(jax.jit(kernel)(*tuple(_d.values())))

</pallas_src>

<mosaic_0001>
#map = affine_map<(d0, d1) -> (0, 0)>
#map1 = affine_map<(d0, d1) -> (0, 0, 0)>
module attributes {stable_mosaic.version = 14 : i64} {
  func.func @_gather_rows(%arg0: i32, %arg1: i32, %arg2: memref<1000x1024xf32, #tpu.memory_space<hbm>>, %arg3: memref<32x50x32xi32, #tpu.memory_space<hbm>>, %arg4: memref<51200x1024xf32, #tpu.memory_space<hbm>>, %arg5: memref<50x32xi32, #tpu.memory_space<vmem>>, %arg6: memref<2x32x1024xf32, #tpu.memory_space<vmem>>, %arg7: memref<!tpu.dma_semaphore, #tpu.memory_space<semaphore_mem>>, %arg8: memref<!tpu.dma_semaphore, #tpu.memory_space<semaphore_mem>>, %arg9: memref<!tpu.dma_semaphore, #tpu.memory_space<semaphore_mem>>, %arg10: memref<!tpu.dma_semaphore, #tpu.memory_space<semaphore_mem>>) attributes {dimension_semantics = [#tpu.dimension_semantics<core_parallel>, #tpu.dimension_semantics<subcore_parallel>], iteration_bounds = array<i64: 2, 16>, scalar_prefetch = 0 : i64, scratch_operands = 6 : i64, tpu.core_type = #tpu.core_type<sc_vector_subcore>, window_params = [{transform_indices = #map}, {transform_indices = #map1}, {transform_indices = #map}]} {
    %mul3A = arith.constant 2 : i32
    %mul3A_0 = arith.muli %arg1, %mul3A : i32
    %add3A = arith.addi %mul3A_0, %arg0 : i32
    "tpu.region"() ({
      %run_scoped3A = tpu.sem_alloc : memref<!tpu.dma_semaphore, #tpu.memory_space<semaphore_mem>>
      %dma_start3A_58 = arith.constant 0 : i32
      %dma_start3A_59 = arith.constant 0 : i32
      %dma_start3A_60 = tpu.memref_slice %arg3[%add3A, %dma_start3A_58, %dma_start3A_59] : memref<32x50x32xi32, #tpu.memory_space<hbm>> -> memref<1x50x32xi32, #tpu.memory_space<hbm>>
      %dma_start3A_61 = tpu.memref_squeeze %dma_start3A_60 : memref<1x50x32xi32, #tpu.memory_space<hbm>> -> memref<50x32xi32, #tpu.memory_space<hbm>>
      %dma_start3A_62 = arith.constant 0 : i32
      %dma_start3A_63 = arith.constant 0 : i32
      %dma_start3A_64 = tpu.memref_slice %arg3[%add3A, %dma_start3A_62, %dma_start3A_63] : memref<32x50x32xi32, #tpu.memory_space<hbm>> -> memref<1x50x32xi32, #tpu.memory_space<hbm>>
      %dma_start3A_65 = tpu.memref_squeeze %dma_start3A_64 : memref<1x50x32xi32, #tpu.memory_space<hbm>> -> memref<50x32xi32, #tpu.memory_space<hbm>>
      tpu.enqueue_dma source(%dma_start3A_65 : memref<50x32xi32, #tpu.memory_space<hbm>>) target(%arg5 : memref<50x32xi32, #tpu.memory_space<vmem>>) target_semaphore(%run_scoped3A : memref<!tpu.dma_semaphore, #tpu.memory_space<semaphore_mem>>)
      %dma_wait3A_66 = arith.constant 0 : i32
      %dma_wait3A_67 = arith.constant 0 : i32
      %dma_wait3A_68 = tpu.memref_slice %arg3[%add3A, %dma_wait3A_66, %dma_wait3A_67] : memref<32x50x32xi32, #tpu.memory_space<hbm>> -> memref<1x50x32xi32, #tpu.memory_space<hbm>>
      %dma_wait3A_69 = tpu.memref_squeeze %dma_wait3A_68 : memref<1x50x32xi32, #tpu.memory_space<hbm>> -> memref<50x32xi32, #tpu.memory_space<hbm>>
      %dma_wait3A_70 = arith.constant 0 : i32
      %dma_wait3A_71 = arith.constant 0 : i32
      %dma_wait3A_72 = tpu.memref_slice %arg3[%add3A, %dma_wait3A_70, %dma_wait3A_71] : memref<32x50x32xi32, #tpu.memory_space<hbm>> -> memref<1x50x32xi32, #tpu.memory_space<hbm>>
      %dma_wait3A_73 = tpu.memref_squeeze %dma_wait3A_72 : memref<1x50x32xi32, #tpu.memory_space<hbm>> -> memref<50x32xi32, #tpu.memory_space<hbm>>
      tpu.wait_dma2 semaphore(%run_scoped3A : memref<!tpu.dma_semaphore, #tpu.memory_space<semaphore_mem>>) src(%dma_wait3A_73 : memref<50x32xi32, #tpu.memory_space<hbm>>) dst(%arg5 : memref<50x32xi32, #tpu.memory_space<vmem>>)
      tpu.yield
    }) : () -> ()
    %mul3A_1 = arith.constant 1600 : i32
    %mul3A_2 = arith.muli %add3A, %mul3A_1 : i32
    %dma_start3A = arith.constant 0 : i32
    %dma_start3A_3 = arith.constant 0 : i32
    %dma_start3A_4 = arith.constant 0 : i32
    %dma_start3A_5 = arith.constant 0 : i32
    %dma_start3A_6 = tpu.memref_slice %arg6[%dma_start3A_3, %dma_start3A_4, %dma_start3A_5] : memref<2x32x1024xf32, #tpu.memory_space<vmem>> -> memref<1x32x1024xf32, #tpu.memory_space<vmem>>
    %dma_start3A_7 = tpu.memref_squeeze %dma_start3A_6 : memref<1x32x1024xf32, #tpu.memory_space<vmem>> -> memref<32x1024xf32, #tpu.memory_space<vmem>>
    %dma_start3A_8 = arith.constant 0 : i32
    %dma_start3A_9 = tpu.memref_slice %arg5[%dma_start3A, %dma_start3A_8] : memref<50x32xi32, #tpu.memory_space<vmem>> -> memref<1x32xi32, #tpu.memory_space<vmem>>
    %dma_start3A_10 = tpu.memref_squeeze %dma_start3A_9 : memref<1x32xi32, #tpu.memory_space<vmem>> -> memref<32xi32, #tpu.memory_space<vmem>>
    %dma_start3A_11 = arith.constant 0 : i32
    %dma_start3A_12 = arith.constant 0 : i32
    %dma_start3A_13 = tpu.memref_slice %arg2[%dma_start3A_11, %dma_start3A_12] : memref<1000x1024xf32, #tpu.memory_space<hbm>> -> memref<1000x1024xf32, #tpu.memory_space<hbm>>
    tpu.enqueue_indirect_dma source(%dma_start3A_13 : memref<1000x1024xf32, #tpu.memory_space<hbm>>) target(%dma_start3A_7 : memref<32x1024xf32, #tpu.memory_space<vmem>>) offsets(%dma_start3A_10 : memref<32xi32, #tpu.memory_space<vmem>>) semaphore(%arg7 : memref<!tpu.dma_semaphore, #tpu.memory_space<semaphore_mem>>)
    %dma_start3A_14 = arith.constant 1 : i32
    %dma_start3A_15 = arith.constant 1 : i32
    %dma_start3A_16 = arith.constant 0 : i32
    %dma_start3A_17 = arith.constant 0 : i32
    %dma_start3A_18 = tpu.memref_slice %arg6[%dma_start3A_15, %dma_start3A_16, %dma_start3A_17] : memref<2x32x1024xf32, #tpu.memory_space<vmem>> -> memref<1x32x1024xf32, #tpu.memory_space<vmem>>
    %dma_start3A_19 = tpu.memref_squeeze %dma_start3A_18 : memref<1x32x1024xf32, #tpu.memory_space<vmem>> -> memref<32x1024xf32, #tpu.memory_space<vmem>>
    %dma_start3A_20 = arith.constant 0 : i32
    %dma_start3A_21 = tpu.memref_slice %arg5[%dma_start3A_14, %dma_start3A_20] : memref<50x32xi32, #tpu.memory_space<vmem>> -> memref<1x32xi32, #tpu.memory_space<vmem>>
    %dma_start3A_22 = tpu.memref_squeeze %dma_start3A_21 : memref<1x32xi32, #tpu.memory_space<vmem>> -> memref<32xi32, #tpu.memory_space<vmem>>
    %dma_start3A_23 = arith.constant 0 : i32
    %dma_start3A_24 = arith.constant 0 : i32
    %dma_start3A_25 = tpu.memref_slice %arg2[%dma_start3A_23, %dma_start3A_24] : memref<1000x1024xf32, #tpu.memory_space<hbm>> -> memref<1000x1024xf32, #tpu.memory_space<hbm>>
    tpu.enqueue_indirect_dma source(%dma_start3A_25 : memref<1000x1024xf32, #tpu.memory_space<hbm>>) target(%dma_start3A_19 : memref<32x1024xf32, #tpu.memory_space<vmem>>) offsets(%dma_start3A_22 : memref<32xi32, #tpu.memory_space<vmem>>) semaphore(%arg8 : memref<!tpu.dma_semaphore, #tpu.memory_space<semaphore_mem>>)
    %scan3A = arith.constant 0 : i32
    %scan3A_26 = arith.constant 0 : i32
    %scan3A_27 = arith.constant 1 : i32
    %scan3A_28 = arith.constant 0 : i32
    %scan3A_29 = arith.constant 25 : i32
    %scan3A_30 = arith.addi %scan3A_28, %scan3A_29 : i32
    %scan3A_31 = arith.constant 1 : i32
    scf.for %scan3A_58 = %scan3A_28 to %scan3A_30 step %scan3A_31  : i32 {
      %mul3A_59 = arith.constant 2 : i32
      %mul3A_60 = arith.muli %mul3A_59, %scan3A_58 : i32
      %add3A_61 = arith.constant 0 : i32
      %add3A_62 = arith.addi %mul3A_60, %add3A_61 : i32
      %dma_wait3A_63 = arith.constant 0 : i32
      %dma_wait3A_64 = arith.constant 0 : i32
      %dma_wait3A_65 = tpu.memref_slice %arg6[%scan3A_26, %dma_wait3A_63, %dma_wait3A_64] : memref<2x32x1024xf32, #tpu.memory_space<vmem>> -> memref<1x32x1024xf32, #tpu.memory_space<vmem>>
      %dma_wait3A_66 = tpu.memref_squeeze %dma_wait3A_65 : memref<1x32x1024xf32, #tpu.memory_space<vmem>> -> memref<32x1024xf32, #tpu.memory_space<vmem>>
      %dma_wait3A_67 = arith.constant 0 : i32
      %dma_wait3A_68 = arith.constant 0 : i32
      %dma_wait3A_69 = tpu.memref_slice %arg2[%dma_wait3A_67, %dma_wait3A_68] : memref<1000x1024xf32, #tpu.memory_space<hbm>> -> memref<32x1024xf32, #tpu.memory_space<hbm>>
      %dma_wait3A_70 = arith.constant 0 : i32
      %dma_wait3A_71 = arith.constant 0 : i32
      %dma_wait3A_72 = tpu.memref_slice %arg6[%scan3A_26, %dma_wait3A_70, %dma_wait3A_71] : memref<2x32x1024xf32, #tpu.memory_space<vmem>> -> memref<1x32x1024xf32, #tpu.memory_space<vmem>>
      %dma_wait3A_73 = tpu.memref_squeeze %dma_wait3A_72 : memref<1x32x1024xf32, #tpu.memory_space<vmem>> -> memref<32x1024xf32, #tpu.memory_space<vmem>>
      %dma_wait3A_74 = arith.constant 0 : i32
      %dma_wait3A_75 = arith.constant 0 : i32
      %dma_wait3A_76 = tpu.memref_slice %arg2[%dma_wait3A_74, %dma_wait3A_75] : memref<1000x1024xf32, #tpu.memory_space<hbm>> -> memref<32x1024xf32, #tpu.memory_space<hbm>>
      tpu.wait_dma2 semaphore(%arg7 : memref<!tpu.dma_semaphore, #tpu.memory_space<semaphore_mem>>) src(%dma_wait3A_76 : memref<32x1024xf32, #tpu.memory_space<hbm>>) dst(%dma_wait3A_73 : memref<32x1024xf32, #tpu.memory_space<vmem>>)
      %mul3A_77 = arith.constant 32 : i32
      %mul3A_78 = arith.muli %add3A_62, %mul3A_77 : i32
      %add3A_79 = arith.addi %mul3A_2, %mul3A_78 : i32
      %dma_start3A_80 = arith.constant 0 : i32
      %dma_start3A_81 = arith.constant 0 : i32
      %dma_start3A_82 = tpu.memref_slice %arg6[%scan3A_26, %dma_start3A_80, %dma_start3A_81] : memref<2x32x1024xf32, #tpu.memory_space<vmem>> -> memref<1x32x1024xf32, #tpu.memory_space<vmem>>
      %dma_start3A_83 = tpu.memref_squeeze %dma_start3A_82 : memref<1x32x1024xf32, #tpu.memory_space<vmem>> -> memref<32x1024xf32, #tpu.memory_space<vmem>>
      %dma_start3A_84 = arith.constant 0 : i32
      %dma_start3A_85 = tpu.memref_slice %arg4[%add3A_79, %dma_start3A_84] : memref<51200x1024xf32, #tpu.memory_space<hbm>> -> memref<32x1024xf32, #tpu.memory_space<hbm>>
      %dma_start3A_86 = arith.constant 0 : i32
      %dma_start3A_87 = tpu.memref_slice %arg4[%add3A_79, %dma_start3A_86] : memref<51200x1024xf32, #tpu.memory_space<hbm>> -> memref<32x1024xf32, #tpu.memory_space<hbm>>
      %dma_start3A_88 = arith.constant 0 : i32
      %dma_start3A_89 = arith.constant 0 : i32
      %dma_start3A_90 = tpu.memref_slice %arg6[%scan3A_26, %dma_start3A_88, %dma_start3A_89] : memref<2x32x1024xf32, #tpu.memory_space<vmem>> -> memref<1x32x1024xf32, #tpu.memory_space<vmem>>
      %dma_start3A_91 = tpu.memref_squeeze %dma_start3A_90 : memref<1x32x1024xf32, #tpu.memory_space<vmem>> -> memref<32x1024xf32, #tpu.memory_space<vmem>>
      tpu.enqueue_dma source(%dma_start3A_91 : memref<32x1024xf32, #tpu.memory_space<vmem>>) target(%dma_start3A_87 : memref<32x1024xf32, #tpu.memory_space<hbm>>) target_semaphore(%arg9 : memref<!tpu.dma_semaphore, #tpu.memory_space<semaphore_mem>>)
      %add3A_92 = arith.constant 2 : i32
      %add3A_93 = arith.addi %add3A_62, %add3A_92 : i32
      %lt3A = arith.constant 50 : i32
      %lt3A_94 = arith.cmpi slt, %add3A_93, %lt3A : i32
      %convert_element_type3A = arith.extui %lt3A_94 : i1 to i32
      %cond3A = arith.constant 0 : i32
      %cond3A_95 = arith.cmpi ne, %convert_element_type3A, %cond3A : i32
      scf.if %cond3A_95 {
        %dma_wait3A_134 = arith.constant 0 : i32
        %dma_wait3A_135 = arith.constant 0 : i32
        %dma_wait3A_136 = tpu.memref_slice %arg6[%scan3A_26, %dma_wait3A_134, %dma_wait3A_135] : memref<2x32x1024xf32, #tpu.memory_space<vmem>> -> memref<1x32x1024xf32, #tpu.memory_space<vmem>>
        %dma_wait3A_137 = tpu.memref_squeeze %dma_wait3A_136 : memref<1x32x1024xf32, #tpu.memory_space<vmem>> -> memref<32x1024xf32, #tpu.memory_space<vmem>>
        %dma_wait3A_138 = arith.constant 0 : i32
        %dma_wait3A_139 = tpu.memref_slice %arg4[%mul3A_2, %dma_wait3A_138] : memref<51200x1024xf32, #tpu.memory_space<hbm>> -> memref<32x1024xf32, #tpu.memory_space<hbm>>
        %dma_wait3A_140 = arith.constant 0 : i32
        %dma_wait3A_141 = tpu.memref_slice %arg4[%mul3A_2, %dma_wait3A_140] : memref<51200x1024xf32, #tpu.memory_space<hbm>> -> memref<32x1024xf32, #tpu.memory_space<hbm>>
        %dma_wait3A_142 = arith.constant 0 : i32
        %dma_wait3A_143 = arith.constant 0 : i32
        %dma_wait3A_144 = tpu.memref_slice %arg6[%scan3A_26, %dma_wait3A_142, %dma_wait3A_143] : memref<2x32x1024xf32, #tpu.memory_space<vmem>> -> memref<1x32x1024xf32, #tpu.memory_space<vmem>>
        %dma_wait3A_145 = tpu.memref_squeeze %dma_wait3A_144 : memref<1x32x1024xf32, #tpu.memory_space<vmem>> -> memref<32x1024xf32, #tpu.memory_space<vmem>>
        tpu.wait_dma2 semaphore(%arg9 : memref<!tpu.dma_semaphore, #tpu.memory_space<semaphore_mem>>) src(%dma_wait3A_145 : memref<32x1024xf32, #tpu.memory_space<vmem>>) dst(%dma_wait3A_141 : memref<32x1024xf32, #tpu.memory_space<hbm>>)
        %add3A_146 = arith.constant 2 : i32
        %add3A_147 = arith.addi %add3A_62, %add3A_146 : i32
        %dma_start3A_148 = arith.constant 0 : i32
        %dma_start3A_149 = arith.constant 0 : i32
        %dma_start3A_150 = tpu.memref_slice %arg6[%scan3A_26, %dma_start3A_148, %dma_start3A_149] : memref<2x32x1024xf32, #tpu.memory_space<vmem>> -> memref<1x32x1024xf32, #tpu.memory_space<vmem>>
        %dma_start3A_151 = tpu.memref_squeeze %dma_start3A_150 : memref<1x32x1024xf32, #tpu.memory_space<vmem>> -> memref<32x1024xf32, #tpu.memory_space<vmem>>
        %dma_start3A_152 = arith.constant 0 : i32
        %dma_start3A_153 = tpu.memref_slice %arg5[%add3A_147, %dma_start3A_152] : memref<50x32xi32, #tpu.memory_space<vmem>> -> memref<1x32xi32, #tpu.memory_space<vmem>>
        %dma_start3A_154 = tpu.memref_squeeze %dma_start3A_153 : memref<1x32xi32, #tpu.memory_space<vmem>> -> memref<32xi32, #tpu.memory_space<vmem>>
        %dma_start3A_155 = arith.constant 0 : i32
        %dma_start3A_156 = arith.constant 0 : i32
        %dma_start3A_157 = tpu.memref_slice %arg2[%dma_start3A_155, %dma_start3A_156] : memref<1000x1024xf32, #tpu.memory_space<hbm>> -> memref<1000x1024xf32, #tpu.memory_space<hbm>>
        tpu.enqueue_indirect_dma source(%dma_start3A_157 : memref<1000x1024xf32, #tpu.memory_space<hbm>>) target(%dma_start3A_151 : memref<32x1024xf32, #tpu.memory_space<vmem>>) offsets(%dma_start3A_154 : memref<32xi32, #tpu.memory_space<vmem>>) semaphore(%arg7 : memref<!tpu.dma_semaphore, #tpu.memory_space<semaphore_mem>>)
      } else {
      }
      %add3A_96 = arith.constant 1 : i32
      %add3A_97 = arith.addi %mul3A_60, %add3A_96 : i32
      %dma_wait3A_98 = arith.constant 0 : i32
      %dma_wait3A_99 = arith.constant 0 : i32
      %dma_wait3A_100 = tpu.memref_slice %arg6[%scan3A_27, %dma_wait3A_98, %dma_wait3A_99] : memref<2x32x1024xf32, #tpu.memory_space<vmem>> -> memref<1x32x1024xf32, #tpu.memory_space<vmem>>
      %dma_wait3A_101 = tpu.memref_squeeze %dma_wait3A_100 : memref<1x32x1024xf32, #tpu.memory_space<vmem>> -> memref<32x1024xf32, #tpu.memory_space<vmem>>
      %dma_wait3A_102 = arith.constant 0 : i32
      %dma_wait3A_103 = arith.constant 0 : i32
      %dma_wait3A_104 = tpu.memref_slice %arg2[%dma_wait3A_102, %dma_wait3A_103] : memref<1000x1024xf32, #tpu.memory_space<hbm>> -> memref<32x1024xf32, #tpu.memory_space<hbm>>
      %dma_wait3A_105 = arith.constant 0 : i32
      %dma_wait3A_106 = arith.constant 0 : i32
      %dma_wait3A_107 = tpu.memref_slice %arg6[%scan3A_27, %dma_wait3A_105, %dma_wait3A_106] : memref<2x32x1024xf32, #tpu.memory_space<vmem>> -> memref<1x32x1024xf32, #tpu.memory_space<vmem>>
      %dma_wait3A_108 = tpu.memref_squeeze %dma_wait3A_107 : memref<1x32x1024xf32, #tpu.memory_space<vmem>> -> memref<32x1024xf32, #tpu.memory_space<vmem>>
      %dma_wait3A_109 = arith.constant 0 : i32
      %dma_wait3A_110 = arith.constant 0 : i32
      %dma_wait3A_111 = tpu.memref_slice %arg2[%dma_wait3A_109, %dma_wait3A_110] : memref<1000x1024xf32, #tpu.memory_space<hbm>> -> memref<32x1024xf32, #tpu.memory_space<hbm>>
      tpu.wait_dma2 semaphore(%arg8 : memref<!tpu.dma_semaphore, #tpu.memory_space<semaphore_mem>>) src(%dma_wait3A_111 : memref<32x1024xf32, #tpu.memory_space<hbm>>) dst(%dma_wait3A_108 : memref<32x1024xf32, #tpu.memory_space<vmem>>)
      %mul3A_112 = arith.constant 32 : i32
      %mul3A_113 = arith.muli %add3A_97, %mul3A_112 : i32
      %add3A_114 = arith.addi %mul3A_2, %mul3A_113 : i32
      %dma_start3A_115 = arith.constant 0 : i32
      %dma_start3A_116 = arith.constant 0 : i32
      %dma_start3A_117 = tpu.memref_slice %arg6[%scan3A_27, %dma_start3A_115, %dma_start3A_116] : memref<2x32x1024xf32, #tpu.memory_space<vmem>> -> memref<1x32x1024xf32, #tpu.memory_space<vmem>>
      %dma_start3A_118 = tpu.memref_squeeze %dma_start3A_117 : memref<1x32x1024xf32, #tpu.memory_space<vmem>> -> memref<32x1024xf32, #tpu.memory_space<vmem>>
      %dma_start3A_119 = arith.constant 0 : i32
      %dma_start3A_120 = tpu.memref_slice %arg4[%add3A_114, %dma_start3A_119] : memref<51200x1024xf32, #tpu.memory_space<hbm>> -> memref<32x1024xf32, #tpu.memory_space<hbm>>
      %dma_start3A_121 = arith.constant 0 : i32
      %dma_start3A_122 = tpu.memref_slice %arg4[%add3A_114, %dma_start3A_121] : memref<51200x1024xf32, #tpu.memory_space<hbm>> -> memref<32x1024xf32, #tpu.memory_space<hbm>>
      %dma_start3A_123 = arith.constant 0 : i32
      %dma_start3A_124 = arith.constant 0 : i32
      %dma_start3A_125 = tpu.memref_slice %arg6[%scan3A_27, %dma_start3A_123, %dma_start3A_124] : memref<2x32x1024xf32, #tpu.memory_space<vmem>> -> memref<1x32x1024xf32, #tpu.memory_space<vmem>>
      %dma_start3A_126 = tpu.memref_squeeze %dma_start3A_125 : memref<1x32x1024xf32, #tpu.memory_space<vmem>> -> memref<32x1024xf32, #tpu.memory_space<vmem>>
      tpu.enqueue_dma source(%dma_start3A_126 : memref<32x1024xf32, #tpu.memory_space<vmem>>) target(%dma_start3A_122 : memref<32x1024xf32, #tpu.memory_space<hbm>>) target_semaphore(%arg10 : memref<!tpu.dma_semaphore, #tpu.memory_space<semaphore_mem>>)
      %add3A_127 = arith.constant 2 : i32
      %add3A_128 = arith.addi %add3A_97, %add3A_127 : i32
      %lt3A_129 = arith.constant 50 : i32
      %lt3A_130 = arith.cmpi slt, %add3A_128, %lt3A_129 : i32
      %convert_element_type3A_131 = arith.extui %lt3A_130 : i1 to i32
      %cond3A_132 = arith.constant 0 : i32
      %cond3A_133 = arith.cmpi ne, %convert_element_type3A_131, %cond3A_132 : i32
      scf.if %cond3A_133 {
        %dma_wait3A_134 = arith.constant 0 : i32
        %dma_wait3A_135 = arith.constant 0 : i32
        %dma_wait3A_136 = tpu.memref_slice %arg6[%scan3A_27, %dma_wait3A_134, %dma_wait3A_135] : memref<2x32x1024xf32, #tpu.memory_space<vmem>> -> memref<1x32x1024xf32, #tpu.memory_space<vmem>>
        %dma_wait3A_137 = tpu.memref_squeeze %dma_wait3A_136 : memref<1x32x1024xf32, #tpu.memory_space<vmem>> -> memref<32x1024xf32, #tpu.memory_space<vmem>>
        %dma_wait3A_138 = arith.constant 0 : i32
        %dma_wait3A_139 = tpu.memref_slice %arg4[%mul3A_2, %dma_wait3A_138] : memref<51200x1024xf32, #tpu.memory_space<hbm>> -> memref<32x1024xf32, #tpu.memory_space<hbm>>
        %dma_wait3A_140 = arith.constant 0 : i32
        %dma_wait3A_141 = tpu.memref_slice %arg4[%mul3A_2, %dma_wait3A_140] : memref<51200x1024xf32, #tpu.memory_space<hbm>> -> memref<32x1024xf32, #tpu.memory_space<hbm>>
        %dma_wait3A_142 = arith.constant 0 : i32
        %dma_wait3A_143 = arith.constant 0 : i32
        %dma_wait3A_144 = tpu.memref_slice %arg6[%scan3A_27, %dma_wait3A_142, %dma_wait3A_143] : memref<2x32x1024xf32, #tpu.memory_space<vmem>> -> memref<1x32x1024xf32, #tpu.memory_space<vmem>>
        %dma_wait3A_145 = tpu.memref_squeeze %dma_wait3A_144 : memref<1x32x1024xf32, #tpu.memory_space<vmem>> -> memref<32x1024xf32, #tpu.memory_space<vmem>>
        tpu.wait_dma2 semaphore(%arg10 : memref<!tpu.dma_semaphore, #tpu.memory_space<semaphore_mem>>) src(%dma_wait3A_145 : memref<32x1024xf32, #tpu.memory_space<vmem>>) dst(%dma_wait3A_141 : memref<32x1024xf32, #tpu.memory_space<hbm>>)
        %add3A_146 = arith.constant 2 : i32
        %add3A_147 = arith.addi %add3A_97, %add3A_146 : i32
        %dma_start3A_148 = arith.constant 0 : i32
        %dma_start3A_149 = arith.constant 0 : i32
        %dma_start3A_150 = tpu.memref_slice %arg6[%scan3A_27, %dma_start3A_148, %dma_start3A_149] : memref<2x32x1024xf32, #tpu.memory_space<vmem>> -> memref<1x32x1024xf32, #tpu.memory_space<vmem>>
        %dma_start3A_151 = tpu.memref_squeeze %dma_start3A_150 : memref<1x32x1024xf32, #tpu.memory_space<vmem>> -> memref<32x1024xf32, #tpu.memory_space<vmem>>
        %dma_start3A_152 = arith.constant 0 : i32
        %dma_start3A_153 = tpu.memref_slice %arg5[%add3A_147, %dma_start3A_152] : memref<50x32xi32, #tpu.memory_space<vmem>> -> memref<1x32xi32, #tpu.memory_space<vmem>>
        %dma_start3A_154 = tpu.memref_squeeze %dma_start3A_153 : memref<1x32xi32, #tpu.memory_space<vmem>> -> memref<32xi32, #tpu.memory_space<vmem>>
        %dma_start3A_155 = arith.constant 0 : i32
        %dma_start3A_156 = arith.constant 0 : i32
        %dma_start3A_157 = tpu.memref_slice %arg2[%dma_start3A_155, %dma_start3A_156] : memref<1000x1024xf32, #tpu.memory_space<hbm>> -> memref<1000x1024xf32, #tpu.memory_space<hbm>>
        tpu.enqueue_indirect_dma source(%dma_start3A_157 : memref<1000x1024xf32, #tpu.memory_space<hbm>>) target(%dma_start3A_151 : memref<32x1024xf32, #tpu.memory_space<vmem>>) offsets(%dma_start3A_154 : memref<32xi32, #tpu.memory_space<vmem>>) semaphore(%arg8 : memref<!tpu.dma_semaphore, #tpu.memory_space<semaphore_mem>>)
      } else {
      }
    }
    %scan3A_32 = arith.constant 25 : i32
    %dma_wait3A = arith.constant 0 : i32
    %dma_wait3A_33 = arith.constant 0 : i32
    %dma_wait3A_34 = arith.constant 0 : i32
    %dma_wait3A_35 = tpu.memref_slice %arg6[%dma_wait3A, %dma_wait3A_33, %dma_wait3A_34] : memref<2x32x1024xf32, #tpu.memory_space<vmem>> -> memref<1x32x1024xf32, #tpu.memory_space<vmem>>
    %dma_wait3A_36 = tpu.memref_squeeze %dma_wait3A_35 : memref<1x32x1024xf32, #tpu.memory_space<vmem>> -> memref<32x1024xf32, #tpu.memory_space<vmem>>
    %dma_wait3A_37 = arith.constant 0 : i32
    %dma_wait3A_38 = tpu.memref_slice %arg4[%mul3A_2, %dma_wait3A_37] : memref<51200x1024xf32, #tpu.memory_space<hbm>> -> memref<32x1024xf32, #tpu.memory_space<hbm>>
    %dma_wait3A_39 = arith.constant 0 : i32
    %dma_wait3A_40 = tpu.memref_slice %arg4[%mul3A_2, %dma_wait3A_39] : memref<51200x1024xf32, #tpu.memory_space<hbm>> -> memref<32x1024xf32, #tpu.memory_space<hbm>>
    %dma_wait3A_41 = arith.constant 0 : i32
    %dma_wait3A_42 = arith.constant 0 : i32
    %dma_wait3A_43 = tpu.memref_slice %arg6[%dma_wait3A, %dma_wait3A_41, %dma_wait3A_42] : memref<2x32x1024xf32, #tpu.memory_space<vmem>> -> memref<1x32x1024xf32, #tpu.memory_space<vmem>>
    %dma_wait3A_44 = tpu.memref_squeeze %dma_wait3A_43 : memref<1x32x1024xf32, #tpu.memory_space<vmem>> -> memref<32x1024xf32, #tpu.memory_space<vmem>>
    tpu.wait_dma2 semaphore(%arg9 : memref<!tpu.dma_semaphore, #tpu.memory_space<semaphore_mem>>) src(%dma_wait3A_44 : memref<32x1024xf32, #tpu.memory_space<vmem>>) dst(%dma_wait3A_40 : memref<32x1024xf32, #tpu.memory_space<hbm>>)
    %dma_wait3A_45 = arith.constant 1 : i32
    %dma_wait3A_46 = arith.constant 0 : i32
    %dma_wait3A_47 = arith.constant 0 : i32
    %dma_wait3A_48 = tpu.memref_slice %arg6[%dma_wait3A_45, %dma_wait3A_46, %dma_wait3A_47] : memref<2x32x1024xf32, #tpu.memory_space<vmem>> -> memref<1x32x1024xf32, #tpu.memory_space<vmem>>
    %dma_wait3A_49 = tpu.memref_squeeze %dma_wait3A_48 : memref<1x32x1024xf32, #tpu.memory_space<vmem>> -> memref<32x1024xf32, #tpu.memory_space<vmem>>
    %dma_wait3A_50 = arith.constant 0 : i32
    %dma_wait3A_51 = tpu.memref_slice %arg4[%mul3A_2, %dma_wait3A_50] : memref<51200x1024xf32, #tpu.memory_space<hbm>> -> memref<32x1024xf32, #tpu.memory_space<hbm>>
    %dma_wait3A_52 = arith.constant 0 : i32
    %dma_wait3A_53 = tpu.memref_slice %arg4[%mul3A_2, %dma_wait3A_52] : memref<51200x1024xf32, #tpu.memory_space<hbm>> -> memref<32x1024xf32, #tpu.memory_space<hbm>>
    %dma_wait3A_54 = arith.constant 0 : i32
    %dma_wait3A_55 = arith.constant 0 : i32
    %dma_wait3A_56 = tpu.memref_slice %arg6[%dma_wait3A_45, %dma_wait3A_54, %dma_wait3A_55] : memref<2x32x1024xf32, #tpu.memory_space<vmem>> -> memref<1x32x1024xf32, #tpu.memory_space<vmem>>
    %dma_wait3A_57 = tpu.memref_squeeze %dma_wait3A_56 : memref<1x32x1024xf32, #tpu.memory_space<vmem>> -> memref<32x1024xf32, #tpu.memory_space<vmem>>
    tpu.wait_dma2 semaphore(%arg10 : memref<!tpu.dma_semaphore, #tpu.memory_space<semaphore_mem>>) src(%dma_wait3A_57 : memref<32x1024xf32, #tpu.memory_space<vmem>>) dst(%dma_wait3A_53 : memref<32x1024xf32, #tpu.memory_space<hbm>>)
    return
  }
}

</mosaic_0001>

<sc_bundles>
// kernel: kernel.3.cloned.1.call-start
scs
__scs_entry_jumppad:
0x0: {  	(pc) =	sbr.rel $0x88, $3  }
0x1: {  	(tag) =	ssettag $0x0;
	lr =	simm.s32 $0x1  }
0x2: {  	[smem:$0x3F9F] =	sst lr;
	_ =	strace $0xD0000000  }
0x3: {  	_ = 	snop  }
0x4: {  	_ = 	snop  }
0x5: {  	_ = 	snop  }
0x6: {  	_ = 	snop  }
0x7: {  	_ = 	snop  }
__scs_overlays_trampoline_lowered:
0x8: {  	[smem:$0x3FAE] =	sst s0  }
0x9: {  	[smem:$0x3FAF] =	sst s1  }
0xa: {  	[smem:$0x3FB0] =	sst s2  }
0xb: {  	[smem:$0x3FB1] =	sst s3  }
0xc: {  	[smem:$0x3FB2] =	sst s4  }
0xd: {  	[smem:$0x3FB3] =	sst s5  }
0xe: {  	[smem:$0x3FB4] =	sst s6  }
0xf: {  	[smem:$0x3FB5] =	sst s7  }
0x10: {  	[smem:$0x3FB6] =	sst s8  }
0x11: {  	[smem:$0x3FB7] =	sst s9;
	s0 =	simm.s32 @!p0 $0x0  }
0x12: {  	s1 =	sld [smem:$0x3F9D];
	s0 =	simm.s32 @p0 $0x1  }
0x13: {  	[smem:$0x3FB8] =	sst s0;
	s0 =	simm.s32 @!p1 $0x0  }
0x14: {  	s2 =	sld [smem:$0x3F9C];
	s0 =	simm.s32 @p1 $0x1  }
0x15: {  	[smem:$0x3FB9] =	sst s0;
	s0 =	simm.s32 @!p2 $0x0  }
0x16: {  	s3 =	sld [smem:$0x3FDB];
	s0 =	simm.s32 @p2 $0x1  }
0x17: {  	s4 =	simm.s32 $0x1BF5;
	[smem:$0x3FBB] =	sst s0  }
0x18: {  	s0 =	sld [smem:$0x3F9E];
	_ =	swait.ge [sflag:s4], $0x0  }
0x19: {  	s7 =	sld [smem:$0x3F9F]  }
0x1a: {  	s8 =	sadd.s32 $0xFFFFE003, lr  }
0x1b: {  	s9 =	sadd.s32 $0xFFFFFEF7, lr;
	s5 =	simm.s32 $0xFFFFFFFF;
	p2 =	slt.u32 s8, $0xFFFFF086  }
0x1c: {  	p1 =	slt.u32 s9, $0xF7A;
	s5 =	simm.s32 @!p2 $0x0  }
0x1d: {  	s5 =	simm.s32 @p1 $0x1;
	p0 =	seq.s32 s7, s2  }
0x1e: {  	s7 =	smul.u32 @!p0 $0xF7A, s2;
	p2 =	seq.s32 @!p0 s5, $0x0  }
0x1f: {  	s9 =	smul.u32 $0xF7A, s1;
	s8 =	simm.s32 @!p0 $0x1BF5;
	p2 =	por !p2, p0  }
0x20: {  	[sflag:s8] =	ssyncset.s32 @!p0 $0xFFFFF086;
	s6 =	sadd.s32 @!p0 s3, s7;
	s7 =	simm.s32 @!p0 $0x108  }
0x21: {  	s3 =	sadd.s32 s3, s9;
	s6 =	sadd.s32 @!p0 $0x88, s6;
	s7 =	simm.s32 @p2 $0x1082  }
0x22: {  	[simem:s7], [sflag:s8] =	dma.local @!p0 [hbm:s6], $0xF7A  }
0x23: {  	s9 =	sor.u32 $0xD0000000, s2;
	s6 =	simm.s32 $0x108;
	_ =	swait.ge @!p0 [sflag:s8], $0x0  }
0x24: {  	s3 =	sadd.s32 $0x88, s3;
	s6 =	simm.s32 @!p1 $0x1082;
	[sflag:s4] =	ssyncset.s32 $0xFFFFF086  }
0x25: {  	[simem:s6], [sflag:s4] =	dma.local [hbm:s3], $0xF7A  }
0x26: {  	[smem:$0x3F9F] =	sst s1;
	(tag) =	ssettag s2;
	_ =	strace s9  }
0x27: {  	s1 =	sld [smem:$0x3FAF]  }
0x28: {  	s2 =	sld [smem:$0x3FB0]  }
0x29: {  	s4 =	sld [smem:$0x3FB2]  }
0x2a: {  	p0 =	seq.s32 s5, $0x0;
	s5 =	sld [smem:$0x3FB3]  }
0x2b: {  	s6 =	sld [smem:$0x3FB4]  }
0x2c: {  	s7 =	sld [smem:$0x3FB5]  }
0x2d: {  	s3 =	simm.s32 $0x108;
	s8 =	sld [smem:$0x3FB6]  }
0x2e: {  	s3 =	simm.s32 @!p0 $0x1082;
	s9 =	sld [smem:$0x3FB7]  }
0x2f: {  	lr =	sadd.s32 s0, s3;
	s0 =	sld [smem:$0x3FAE]  }
0x30: {  	s3 =	sld [smem:$0x3FB1]  }
0x31: {  	[smem:$0x3FBA] =	sst s10  }
0x32: {  	s10 =	sld [smem:$0x3FB8];
	_ =	sdelay $0x3  }
0x33: {  	p0 =	seq.s32 s10, $0x1;
	s10 =	sld [smem:$0x3FBA];
	_ =	sdelay $0x3  }
0x34: {  	[smem:$0x3FBA] =	sst s10  }
0x35: {  	s10 =	sld [smem:$0x3FB9];
	_ =	sdelay $0x3  }
0x36: {  	p1 =	seq.s32 s10, $0x1;
	s10 =	sld [smem:$0x3FBA];
	_ =	sdelay $0x3  }
0x37: {  	[smem:$0x3FBA] =	sst s10  }
0x38: {  	s10 =	sld [smem:$0x3FBB]  }
0x39: {  	_ = 	snop;
	(pc) =	sbr.ind lr, $3  }
0x3a: {  	_ = 	snop  }
0x3b: {  	_ = 	snop  }
0x3c: {  	p2 =	seq.s32 s10, $0x1;
	s10 =	sld [smem:$0x3FBA]  }
0x3d: {  	_ =	shalt  }
0x3e: {  	_ =	shalt  }
0x3f: {  	_ =	shalt  }
0x40: {  	_ =	shalt  }
0x41: {  	_ =	shalt  }
0x42: {  	_ =	shalt  }
0x43: {  	_ =	shalt  }
0x44: {  	_ =	shalt  }
0x45: {  	_ =	shalt  }
0x46: {  	_ =	shalt  }
0x47: {  	_ =	shalt  }
0x48: {  	_ =	shalt  }
0x49: {  	_ =	shalt  }
0x4a: {  	_ =	shalt  }
0x4b: {  	_ =	shalt  }
0x4c: {  	_ =	shalt  }
0x4d: {  	_ =	shalt  }
0x4e: {  	_ =	shalt  }
0x4f: {  	_ =	shalt  }
0x50: {  	_ =	shalt  }
0x51: {  	_ =	shalt  }
0x52: {  	_ =	shalt  }
0x53: {  	_ =	shalt  }
0x54: {  	_ =	shalt  }
0x55: {  	_ =	shalt  }
0x56: {  	_ =	shalt  }
0x57: {  	_ =	shalt  }
0x58: {  	_ =	shalt  }
0x59: {  	_ =	shalt  }
0x5a: {  	_ =	shalt  }
0x5b: {  	_ =	shalt  }
0x5c: {  	_ =	shalt  }
0x5d: {  	_ =	shalt  }
0x5e: {  	_ =	shalt  }
0x5f: {  	_ =	shalt  }
0x60: {  	_ =	shalt  }
0x61: {  	_ =	shalt  }
0x62: {  	_ =	shalt  }
0x63: {  	_ =	shalt  }
0x64: {  	_ =	shalt  }
0x65: {  	_ =	shalt  }
0x66: {  	_ =	shalt  }
0x67: {  	_ =	shalt  }
0x68: {  	_ =	shalt  }
0x69: {  	_ =	shalt  }
0x6a: {  	_ =	shalt  }
0x6b: {  	_ =	shalt  }
0x6c: {  	_ =	shalt  }
0x6d: {  	_ =	shalt  }
0x6e: {  	_ =	shalt  }
0x6f: {  	_ =	shalt  }
0x70: {  	_ =	shalt  }
0x71: {  	_ =	shalt  }
0x72: {  	_ =	shalt  }
0x73: {  	_ =	shalt  }
0x74: {  	_ =	shalt  }
0x75: {  	_ =	shalt  }
0x76: {  	_ =	shalt  }
0x77: {  	_ =	shalt  }
0x78: {  	_ =	shalt  }
0x79: {  	_ =	shalt  }
0x7a: {  	_ =	shalt  }
0x7b: {  	_ =	shalt  }
0x7c: {  	_ =	shalt  }
0x7d: {  	_ =	shalt  }
0x7e: {  	_ =	shalt  }
0x7f: {  	_ =	shalt  }
0x80: {  	_ =	shalt  }
0x81: {  	_ =	shalt  }
0x82: {  	_ =	shalt  }
0x83: {  	_ =	shalt  }
0x84: {  	_ =	shalt  }
0x85: {  	_ =	shalt  }
0x86: {  	_ =	shalt  }
0x87: {  	_ =	shalt  }
.Lfunc_end0:
.L_simem_size_0:
called_computation.1_lowered:
.L_overlay_start_0:
0x88: {  	s2 =	sld [smem:$0x3FD9]  }
0x89: {  	s3 =	sld [smem:$0x3FFE];
	_ =	sdelay $0x1  }
0x8a: {  	s1 =	srdreg.scid  }
0x8b: {  	s0 =	sand.u32 $0x1, s1  }
0x8c: {  	s17 =	sshll.u32 s0, $0xA;
	s2 =	sadd.s32 s3, s2  }
0x8d: {  	s2 =	sadd.s32 s2, s17  }
0x8e: {  	[smem:$0x3FC6] =	sst s2  }
0x8f: {  	_ = 	snop  }
0x90: {  	s2 =	sld [smem:$0x3FD0];
	(tm) =	ssettm $0x1  }
0x91: {  	s18 =	sld [smem:$0x3FFB];
	_ =	sdelay $0x3  }
0x92: {  	_ =	strace s18  }
0x93: {  	s3 =	sld [smem:$0x3FFC];
	_ =	sdelay $0x3  }
0x94: {  	_ =	strace s3  }
0x95: {  	s3 =	sld [smem:$0x3FFD];
	_ =	sdelay $0x3  }
0x96: {  	_ =	strace s3  }
0x97: {  	_ =	strace $0x8FFFFFFF  }
0x98: {  	s19 =	sld [smem:$0x3FDB];
	_ =	sdelay $0x1  }
0x99: {  	s4 =	simm.s32 $_scs_section_size  }
0x9a: {  	s5 =	simm.s32 $_size__tile_overlayer_lowered;
	s6 =	simm.s32 $_tile_overlayer_lowered  }
0x9b: {  	s22 =	simm.s32 $0x1BFF;
	s21 =	sshll.u32 s6, $0x1;
	s3 =	sadd.s32 s4, s19  }
0x9c: {  	s7 =	simm.s32 $0x0;
	s20 =	sshll.u32 s5, $0x1;
	s5 =	sadd.s32 s21, s3  }
0x9d: {  	[timem:s7], [sflag:s22] =	dma.local [hbm:s5], s20  }
0x9e: {  	_ =	swait.ge [sflag:s22], s20  }
0x9f: {  	s4 =	ssub.s32 $0x0, s20;
	[sflag:s22] =	ssyncset.done $0x0  }
0xa0: {  	[sflag:s22] =	ssyncadd.s32 s4;
	_ =	sdelay $0x1  }
0xa1: {  	s23 =	simm.s32 $0x1B8B  }
0xa2: {  	_ =	swait.ge [sflag:s23], $0x1  }
0xa3: {  	[sflag:s23] =	ssyncset.done $0x0  }
0xa4: {  	s25 =	simm.s32 $0x1B8E;
	s24 =	sld [smem:$0x3FFE];
	[sflag:s23] =	ssyncadd.s32 $0xFFFFFFFF  }
0xa5: {  	s26 =	simm.s32 $execute0_lowered;
	[smem:$0x3FD2] =	sst s25  }
0xa6: {  	s5 =	sshll.u32 s26, $0x1;
	_ =	strace $0x80000046;
	[dreg:$0x1] =	wrdreg $0xFFFFFFFF  }
0xa7: {  	s28 =	simm.s32 $_size_execute0_lowered;
	s3 =	sadd.s32 s3, s5;
	[dreg:$0x0] =	wrdreg $0x0  }
0xa8: {  	s5 =	sshll.u32 s28, $0x1;
	[dreg:$0x2] =	wrdreg s3  }
0xa9: {  	[dreg:$0x3] =	wrdreg s5  }
0xaa: {  	[dreg:$0x4] =	wrdreg $0xC0  }
0xab: {  	_ =	task [dreg:s7], $0x5FFFF  }
0xac: {  	[dreg:$0x1] =	wrdreg $0xFFFFFFFF  }
0xad: {  	[dreg:$0x0] =	wrdreg $0x60  }
0xae: {  	[dreg:$0x2] =	wrdreg s2  }
0xaf: {  	[dreg:$0x3] =	wrdreg s24  }
0xb0: {  	[dreg:$0x4] =	wrdreg $0x9  }
0xb1: {  	_ =	task.clear_ibuf [dreg:s7], $0x5FFFF;
	_ =	strace $0x90000046  }
0xb2: {  	s29 =	simm.s32 $0x9;
	_ =	strace $0x80000048  }
0xb3: {  	_ =	swait.ge [sflag:s29], $0x1  }
0xb4: {  	[sflag:s29] =	ssyncadd.s32 $0xFFFFFFFF  }
0xb5: {  	_ =	strace $0x90000048  }
0xb6: {  	_ =	sfence  }
0xb7: {  	s30 =	sld [smem:$0x0];
	_ =	sdelay $0x2  }
0xb8: {  	s31 =	sshll.u32 s1, $0xD;
	s1 =	sshrl.u32 s1, $0x2  }
0xb9: {  	s3 =	sand.u32 $0x4000, s31;
	s1 =	sadd.s32 s1, s30  }
0xba: {  	s0 =	sor.u32 s3, s0;
	s1 =	sshll.u32 s1, $0x11  }
0xbb: {  	s0 =	sor.u32 s1, s0  }
0xbc: {  	s0 =	sadd.s32 $0x8F2B, s0  }
0xbd: {  	[sflag:s0] =	ssyncadd.remote.s32 $0x1  }
0xbe: {  	_ =	sfence.sel $0xFFFF  }
0xbf: {  	[dreg:$0x0] =	wrdreg $0xFFFFFFFF;
	(pc) =	sbr.abs _section_cstart, $3  }
0xc0: {  	[dreg:$0x1] =	wrdreg $0xFFFFFFFF  }
0xc1: {  	_ =	task.clear_ibuf [dreg:s7], $0x2FFFF;
	_ =	strace $0x9FFFFFFF  }
0xc2: {  	(tm) =	ssettm $0x7FFFFFFF  }
0xc3: {  	_ =	shalt  }
tec
execute0_lowered:
.L_overlay_start_1:
0x0: {  	(tag) =	ssettag $0x1  }
0x1: {  	s2 =	rddreg [dreg:$0x0];
	s0 =	srdreg.scid  }
0x2: {  	s12 =	stileid.u32;
	s1 =	rddreg [dreg:$0x1]  }
0x3: {  	s3 =	simm.s32 $0x0;
	s14 =	simm.s32 $0x1C00;
	s30 =	simm.s32 $0x2400  }
0x4: {  	s31 =	simm.s32 $0x3C00;
	s13 =	simm.s32 $0x6400;
	s15 =	simm.s32 $0x6C00  }
0x5: {  	s16 =	simm.s32 $0x7400;
	s17 =	simm.s32 $0x7C00;
	s18 =	simm.s32 $0x8400  }
0x6: {  	s19 =	simm.s32 $0x8C00;
	s20 =	simm.s32 $0x9400;
	s21 =	simm.s32 $0xA400  }
0x7: {  	s28 =	simm.s32 $0xB400;
	s29 =	simm.s32 $0xBC00;
	s10 =	smul.u32 $0x64000, s12  }
0x8: {  	s0 =	sand.u32 $0x1, s0;
	s4 =	sshll.u32 s12, $0x1;
	s26 =	smul.u32 $0x320000, s12  }
0x9: {  	[smem:$0x7FF] =	sst s3;
	s22 =	sadd.s32 $0x7800, s1;
	s11 =	smul.u32 $0x32000, s0  }
0xa: {  	s5 =	sor.u32 s0, s4;
	s6 =	ssub.s32 $0x2, s0;
	s0 =	smul.u32 $0x190000, s0  }
0xb: {  	s12 =	simm.s32 $0x5C00;
	_ =	strace $0x80000047;
	s4 =	smul.u32 $0x380, s5  }
0xc: {  	[dreg:$0x9] =	wrdreg s22;
	s8 =	sshrl.u32 s6, $0x1;
	s9 =	smul.u32 $0x190000, s5  }
0xd: {  	s5 =	smul.u32 $0x32000, s5;
	s25 =	sadd.s32 s10, s22;
	s10 =	simm.s32 $0x4C00  }
0xe: {  	s23 =	ssub.s32 s6, s8;
	s6 =	sadd.s32 $0x100, s2;
	s8 =	sadd.s32 $0x300, s2  }
0xf: {  	s0 =	sadd.s32 s0, s26;
	s26 =	simm.s32 $0x0;
	s7 =	sadd.s32 s4, s1  }
0x10: {  	s1 =	smax.u32 s23, $0x1;
	s9 =	sshrl.u32 s9, $0x3;
	s5 =	sadd.s32 s5, s22  }
0x11: {  	s0 =	sadd.s32 $0x10000, s0;
	s4 =	simm.s32 $0xAC00;
	s23 =	simm.s32 $0x3  }
0x12: {  	[dreg:$0xa] =	wrdreg s26;
	s24 =	sadd.s32 $0x800, s7;
	s7 =	sadd.s32 $0x200, s2  }
0x13: {  	[dreg:$0x5] =	wrdreg s1;
	s1 =	sadd.s32 s11, s25;
	s9 =	sadd.s32 s22, s9  }
0x14: {  	s5 =	sadd.s32 $0x31000, s5;
	[dreg:$0x8] =	wrdreg s0;
	s0 =	simm.s32 $0x3400  }
0x15: {  	s11 =	simm.s32 $0x5400;
	s22 =	simm.s32 $0x1;
	[dreg:$0x4] =	wrdreg s24  }
0x16: {  	v2 =	vlaneseq.u32;
	s25 =	simm.s32 $0x4;
	[dreg:$0x6] =	wrdreg s9;
	s1 =	sadd.s32 $0x1000, s1  }
0x17: {  	vm0 =	vmmov $0xffff;
	v1 =	vshrl.u32 v2, $0x3;
	[dreg:$0x7] =	wrdreg s5;
	s9 =	simm.s32 $0x4400;
	s5 =	simm.s32 $0x9C00  }
0x18: {  	v0 =	vand.u32 $0x7, v2;
	v2 =	vor.u32 $0x8, v2;
	v1 =	vmul.u32 $0x8, v1;
	s24 =	simm.s32 $0x2;
	[dreg:$0x3] =	wrdreg s1;
	s1 =	simm.s32 $0x2C00  }
.LBB2_1:
0x19: {  	s26 =	rddreg [dreg:$0x4]  }
0x1a: {  	[tilespmem:s3], [sflag:$0x5] =	stream.linear.gather [hbm4b:s26+s3], $0x1900, $0x38;
	[tilespmem:$0x11C00] =	vst v63  }
0x1b: {  	s26 =	simm.s32 $0x5  }
0x1c: {  	_ =	swait.ge [sflag:s26], $0x1900  }
0x1d: {  	[sflag:s26] =	ssyncset.done $0x0  }
0x1e: {  	[sflag:s26] =	ssyncadd.s32 $0xFFFFE700  }
0x1f: {  	v3 =	vld [tilespmem:$0x0];
	_ =	sdelay $0x4  }
0x20: {  	v4 =	vshll.u32 v3, $0x3  }
0x21: {  	v3 =	vand.u32 $0x7, v3;
	v4 =	vand.u32 $0xFFFFFFC0, v4  }
0x22: {  	v3 =	vor.u32 v3, v4  }
0x23: {  	v4 =	vperm.xlane v3, v0;
	_ =	sdelay $0x1  }
0x24: {  	v4 =	vadd.s32 v1, v4;
	_ =	sdelay $0x4  }
0x25: {  	[tilespmem:s14], [sflag:$0x1] =	stream.indirect_vreg.gather [hbm4b:s2+s3], $0x80, v4, vm0, $0xb8;
	[tilespmem:$0x11C00] =	vst v63  }
0x26: {  	v3 =	vperm.xlane v3, v2  }
0x27: {  	[tilespmem:s30], [sflag:$0x1] =	stream.indirect_vreg.gather [hbm4b:s6+s3], $0x80, v4, vm0, $0xb8;
	[tilespmem:$0x11C00] =	vst v63  }
0x28: {  	v3 =	vadd.s32 v1, v3  }
0x29: {  	[tilespmem:s1], [sflag:$0x1] =	stream.indirect_vreg.gather [hbm4b:s7+s3], $0x80, v4, vm0, $0xb8;
	[tilespmem:$0x11C00] =	vst v63  }
0x2a: {  	_ = 	snop  }
0x2b: {  	[tilespmem:s0], [sflag:$0x1] =	stream.indirect_vreg.gather [hbm4b:s8+s3], $0x80, v4, vm0, $0xb8;
	[tilespmem:$0x11C00] =	vst v63  }
0x2c: {  	_ = 	snop  }
0x2d: {  	[tilespmem:s31], [sflag:$0x1] =	stream.indirect_vreg.gather [hbm4b:s2+s3], $0x80, v3, vm0, $0xb8;
	[tilespmem:$0x11C00] =	vst v63  }
0x2e: {  	_ = 	snop  }
0x2f: {  	[tilespmem:s9], [sflag:$0x1] =	stream.indirect_vreg.gather [hbm4b:s6+s3], $0x80, v3, vm0, $0xb8;
	[tilespmem:$0x11C00] =	vst v63  }
0x30: {  	_ = 	snop  }
0x31: {  	[tilespmem:s10], [sflag:$0x1] =	stream.indirect_vreg.gather [hbm4b:s7+s3], $0x80, v3, vm0, $0xb8;
	[tilespmem:$0x11C00] =	vst v63  }
0x32: {  	_ = 	snop  }
0x33: {  	[tilespmem:s11], [sflag:$0x1] =	stream.indirect_vreg.gather [hbm4b:s8+s3], $0x80, v3, vm0, $0xb8;
	[tilespmem:$0x11C00] =	vst v63  }
0x34: {  	v3 =	vld [tilespmem:$0x10];
	_ =	sdelay $0x4  }
0x35: {  	v61 =	vshll.u32 v3, $0x3  }
0x36: {  	v3 =	vand.u32 $0x7, v3;
	v4 =	vand.u32 $0xFFFFFFC0, v61  }
0x37: {  	v3 =	vor.u32 v3, v4  }
0x38: {  	v4 =	vperm.xlane v3, v0;
	_ =	sdelay $0x1  }
0x39: {  	v4 =	vadd.s32 v1, v4;
	_ =	sdelay $0x4  }
0x3a: {  	[tilespmem:s12], [sflag:$0x1] =	stream.indirect_vreg.gather [hbm4b:s2+s3], $0x80, v4, vm0, $0xb8;
	[tilespmem:$0x11C00] =	vst v63  }
0x3b: {  	v3 =	vperm.xlane v3, v2  }
0x3c: {  	[tilespmem:s13], [sflag:$0x1] =	stream.indirect_vreg.gather [hbm4b:s6+s3], $0x80, v4, vm0, $0xb8;
	[tilespmem:$0x11C00] =	vst v63  }
0x3d: {  	v3 =	vadd.s32 v1, v3  }
0x3e: {  	[tilespmem:s15], [sflag:$0x1] =	stream.indirect_vreg.gather [hbm4b:s7+s3], $0x80, v4, vm0, $0xb8;
	[tilespmem:$0x11C00] =	vst v63  }
0x3f: {  	_ = 	snop  }
0x40: {  	[tilespmem:s16], [sflag:$0x1] =	stream.indirect_vreg.gather [hbm4b:s8+s3], $0x80, v4, vm0, $0xb8;
	[tilespmem:$0x11C00] =	vst v63  }
0x41: {  	_ = 	snop  }
0x42: {  	[tilespmem:s17], [sflag:$0x1] =	stream.indirect_vreg.gather [hbm4b:s2+s3], $0x80, v3, vm0, $0xb8;
	[tilespmem:$0x11C00] =	vst v63  }
0x43: {  	_ = 	snop  }
0x44: {  	[tilespmem:s18], [sflag:$0x1] =	stream.indirect_vreg.gather [hbm4b:s6+s3], $0x80, v3, vm0, $0xb8;
	[tilespmem:$0x11C00] =	vst v63  }
0x45: {  	_ = 	snop  }
0x46: {  	[tilespmem:s19], [sflag:$0x1] =	stream.indirect_vreg.gather [hbm4b:s7+s3], $0x80, v3, vm0, $0xb8;
	[tilespmem:$0x11C00] =	vst v63  }
0x47: {  	_ = 	snop  }
0x48: {  	[tilespmem:s20], [sflag:$0x1] =	stream.indirect_vreg.gather [hbm4b:s8+s3], $0x80, v3, vm0, $0xb8;
	[tilespmem:$0x11C00] =	vst v63  }
0x49: {  	v3 =	vld [tilespmem:$0x80];
	_ =	sdelay $0x4  }
0x4a: {  	v62 =	vshll.u32 v3, $0x3  }
0x4b: {  	v3 =	vand.u32 $0x7, v3;
	v4 =	vand.u32 $0xFFFFFFC0, v62  }
0x4c: {  	v3 =	vor.u32 v3, v4  }
0x4d: {  	v4 =	vperm.xlane v3, v0;
	_ =	sdelay $0x1  }
0x4e: {  	v4 =	vadd.s32 v1, v4;
	_ =	sdelay $0x4  }
0x4f: {  	[tilespmem:s5], [sflag:$0x2] =	stream.indirect_vreg.gather [hbm4b:s2+s3], $0x80, v4, vm0, $0xb8;
	[tilespmem:$0x11C00] =	vst v63  }
0x50: {  	v3 =	vperm.xlane v3, v2  }
0x51: {  	[tilespmem:s21], [sflag:$0x2] =	stream.indirect_vreg.gather [hbm4b:s6+s3], $0x80, v4, vm0, $0xb8;
	[tilespmem:$0x11C00] =	vst v63  }
0x52: {  	v3 =	vadd.s32 v1, v3  }
0x53: {  	[tilespmem:s4], [sflag:$0x2] =	stream.indirect_vreg.gather [hbm4b:s7+s3], $0x80, v4, vm0, $0xb8;
	[tilespmem:$0x11C00] =	vst v63  }
0x54: {  	_ = 	snop  }
0x55: {  	[tilespmem:s28], [sflag:$0x2] =	stream.indirect_vreg.gather [hbm4b:s8+s3], $0x80, v4, vm0, $0xb8;
	[tilespmem:$0x11C00] =	vst v63  }
0x56: {  	_ = 	snop  }
0x57: {  	[tilespmem:s29], [sflag:$0x2] =	stream.indirect_vreg.gather [hbm4b:s2+s3], $0x80, v3, vm0, $0xb8;
	[tilespmem:$0x11C00] =	vst v63  }
0x58: {  	s9 =	simm.s32 $0xC400  }
0x59: {  	[tilespmem:s9], [sflag:$0x2] =	stream.indirect_vreg.gather [hbm4b:s6+s3], $0x80, v3, vm0, $0xb8;
	[tilespmem:$0x11C00] =	vst v63  }
0x5a: {  	s10 =	simm.s32 $0xCC00  }
0x5b: {  	[tilespmem:s10], [sflag:$0x2] =	stream.indirect_vreg.gather [hbm4b:s7+s3], $0x80, v3, vm0, $0xb8;
	[tilespmem:$0x11C00] =	vst v63  }
0x5c: {  	s11 =	simm.s32 $0xD400  }
0x5d: {  	[tilespmem:s11], [sflag:$0x2] =	stream.indirect_vreg.gather [hbm4b:s8+s3], $0x80, v3, vm0, $0xb8;
	[tilespmem:$0x11C00] =	vst v63  }
0x5e: {  	v3 =	vld [tilespmem:$0x90];
	_ =	sdelay $0x4  }
0x5f: {  	v63 =	vshll.u32 v3, $0x3  }
0x60: {  	v3 =	vand.u32 $0x7, v3;
	v4 =	vand.u32 $0xFFFFFFC0, v63  }
0x61: {  	v3 =	vor.u32 v3, v4  }
0x62: {  	v4 =	vperm.xlane v3, v0;
	_ =	sdelay $0x1  }
0x63: {  	v4 =	vadd.s32 v1, v4;
	_ =	sdelay $0x3  }
0x64: {  	s12 =	simm.s32 $0xDC00  }
0x65: {  	[tilespmem:s12], [sflag:$0x2] =	stream.indirect_vreg.gather [hbm4b:s2+s3], $0x80, v4, vm0, $0xb8;
	[tilespmem:$0x11C00] =	vst v63  }
0x66: {  	s13 =	simm.s32 $0xE400;
	v3 =	vperm.xlane v3, v2  }
0x67: {  	[tilespmem:s13], [sflag:$0x2] =	stream.indirect_vreg.gather [hbm4b:s6+s3], $0x80, v4, vm0, $0xb8;
	[tilespmem:$0x11C00] =	vst v63  }
0x68: {  	s26 =	simm.s32 $0x190;
	s15 =	simm.s32 $0xEC00;
	v3 =	vadd.s32 v1, v3  }
0x69: {  	[tilespmem:s15], [sflag:$0x2] =	stream.indirect_vreg.gather [hbm4b:s7+s3], $0x80, v4, vm0, $0xb8;
	[tilespmem:$0x11C00] =	vst v63  }
0x6a: {  	s1 =	simm.s32 $0x1C00;
	s0 =	simm.s32 $0xB400;
	s16 =	simm.s32 $0xF400  }
0x6b: {  	[tilespmem:s16], [sflag:$0x2] =	stream.indirect_vreg.gather [hbm4b:s8+s3], $0x80, v4, vm0, $0xb8;
	[tilespmem:$0x11C00] =	vst v63  }
0x6c: {  	s31 =	simm.s32 $0xBC00;
	s17 =	simm.s32 $0xFC00;
	s18 =	simm.s32 $0x10400  }
0x6d: {  	[tilespmem:s17], [sflag:$0x2] =	stream.indirect_vreg.gather [hbm4b:s2+s3], $0x80, v3, vm0, $0xb8;
	[tilespmem:$0x11C00] =	vst v63  }
0x6e: {  	s19 =	simm.s32 $0x10C00;
	s20 =	simm.s32 $0x11400;
	s4 =	simm.s32 $0xAC00  }
0x6f: {  	[tilespmem:s18], [sflag:$0x2] =	stream.indirect_vreg.gather [hbm4b:s6+s3], $0x80, v3, vm0, $0xb8;
	[tilespmem:$0x11C00] =	vst v63  }
0x70: {  	s29 =	simm.s32 $0x0;
	s10 =	simm.s32 $0x4C00;
	s11 =	simm.s32 $0x5400  }
0x71: {  	[tilespmem:s19], [sflag:$0x2] =	stream.indirect_vreg.gather [hbm4b:s7+s3], $0x80, v3, vm0, $0xb8;
	[tilespmem:$0x11C00] =	vst v63  }
0x72: {  	s12 =	simm.s32 $0x5C00;
	s13 =	simm.s32 $0x6400;
	s15 =	simm.s32 $0x6C00  }
0x73: {  	[tilespmem:s20], [sflag:$0x2] =	stream.indirect_vreg.gather [hbm4b:s8+s3], $0x80, v3, vm0, $0xb8;
	[tilespmem:$0x11C00] =	vst v63  }
0x74: {  	s16 =	simm.s32 $0x7400;
	s17 =	simm.s32 $0x7C00;
	_ =	swait.ge [sflag:s22], $0x8000  }
0x75: {  	s18 =	simm.s32 $0x8400;
	[sflag:s22] =	ssyncset.done $0x0;
	s21 =	rddreg [dreg:$0x6]  }
0x76: {  	s19 =	simm.s32 $0x8C00;
	s28 =	rddreg [dreg:$0x8];
	[sflag:s22] =	ssyncadd.s32 $0xFFFF8000  }
0x77: {  	[hbm4b:s21+s3] =	stream.linear.scatter [tilespmem:s14], [sflag:$0x3], $0x8000, $0x38;
	[tilespmem:$0x11C00] =	vst v63  }
0x78: {  	s20 =	simm.s32 $0x9400;
	s21 =	simm.s32 $0xA400;
	s14 =	rddreg [dreg:$0x9]  }
.LBB2_2:
0x79: {  	_ =	swait.ge [sflag:s23], $0x8000  }
0x7a: {  	[sflag:s23] =	ssyncset.done $0x0  }
0x7b: {  	[sflag:s23] =	ssyncadd.s32 $0xFFFF8000  }
0x7c: {  	v3 =	vld [tilespmem:s26+$0xFFFFFF70];
	_ =	sdelay $0x4  }
0x7d: {  	v4 =	vshll.u32 v3, $0x3  }
0x7e: {  	v3 =	vand.u32 $0x7, v3;
	v4 =	vand.u32 $0xFFFFFFC0, v4  }
0x7f: {  	v3 =	vor.u32 v3, v4  }
0x80: {  	v4 =	vperm.xlane v3, v0;
	_ =	sdelay $0x1  }
0x81: {  	v4 =	vadd.s32 v1, v4;
	_ =	sdelay $0x4  }
0x82: {  	[tilespmem:s1], [sflag:$0x1] =	stream.indirect_vreg.gather [hbm4b:s2+s3], $0x80, v4, vm0, $0xb8;
	[tilespmem:$0x11C00] =	vst v63  }
0x83: {  	v3 =	vperm.xlane v3, v2  }
0x84: {  	[tilespmem:s30], [sflag:$0x1] =	stream.indirect_vreg.gather [hbm4b:s6+s3], $0x80, v4, vm0, $0xb8;
	[tilespmem:$0x11C00] =	vst v63  }
0x85: {  	s5 =	simm.s32 $0x2C00;
	v3 =	vadd.s32 v1, v3  }
0x86: {  	[tilespmem:s5], [sflag:$0x1] =	stream.indirect_vreg.gather [hbm4b:s7+s3], $0x80, v4, vm0, $0xb8;
	[tilespmem:$0x11C00] =	vst v63  }
0x87: {  	s9 =	simm.s32 $0x3400  }
0x88: {  	[tilespmem:s9], [sflag:$0x1] =	stream.indirect_vreg.gather [hbm4b:s8+s3], $0x80, v4, vm0, $0xb8;
	[tilespmem:$0x11C00] =	vst v63  }
0x89: {  	s9 =	simm.s32 $0x3C00  }
0x8a: {  	[tilespmem:s9], [sflag:$0x1] =	stream.indirect_vreg.gather [hbm4b:s2+s3], $0x80, v3, vm0, $0xb8;
	[tilespmem:$0x11C00] =	vst v63  }
0x8b: {  	s9 =	simm.s32 $0x4400  }
0x8c: {  	[tilespmem:s9], [sflag:$0x1] =	stream.indirect_vreg.gather [hbm4b:s6+s3], $0x80, v3, vm0, $0xb8;
	[tilespmem:$0x11C00] =	vst v63  }
0x8d: {  	_ = 	snop  }
0x8e: {  	[tilespmem:s10], [sflag:$0x1] =	stream.indirect_vreg.gather [hbm4b:s7+s3], $0x80, v3, vm0, $0xb8;
	[tilespmem:$0x11C00] =	vst v63  }
0x8f: {  	_ = 	snop  }
0x90: {  	[tilespmem:s11], [sflag:$0x1] =	stream.indirect_vreg.gather [hbm4b:s8+s3], $0x80, v3, vm0, $0xb8;
	[tilespmem:$0x11C00] =	vst v63  }
0x91: {  	v3 =	vld [tilespmem:s26+$0xFFFFFF80];
	_ =	sdelay $0x4  }
0x92: {  	v61 =	vshll.u32 v3, $0x3  }
0x93: {  	v3 =	vand.u32 $0x7, v3;
	v4 =	vand.u32 $0xFFFFFFC0, v61  }
0x94: {  	v3 =	vor.u32 v3, v4  }
0x95: {  	v4 =	vperm.xlane v3, v0;
	_ =	sdelay $0x1  }
0x96: {  	v4 =	vadd.s32 v1, v4;
	_ =	sdelay $0x4  }
0x97: {  	[tilespmem:s12], [sflag:$0x1] =	stream.indirect_vreg.gather [hbm4b:s2+s3], $0x80, v4, vm0, $0xb8;
	[tilespmem:$0x11C00] =	vst v63  }
0x98: {  	v3 =	vperm.xlane v3, v2  }
0x99: {  	[tilespmem:s13], [sflag:$0x1] =	stream.indirect_vreg.gather [hbm4b:s6+s3], $0x80, v4, vm0, $0xb8;
	[tilespmem:$0x11C00] =	vst v63  }
0x9a: {  	v3 =	vadd.s32 v1, v3  }
0x9b: {  	[tilespmem:s15], [sflag:$0x1] =	stream.indirect_vreg.gather [hbm4b:s7+s3], $0x80, v4, vm0, $0xb8;
	[tilespmem:$0x11C00] =	vst v63  }
0x9c: {  	_ = 	snop  }
0x9d: {  	[tilespmem:s16], [sflag:$0x1] =	stream.indirect_vreg.gather [hbm4b:s8+s3], $0x80, v4, vm0, $0xb8;
	[tilespmem:$0x11C00] =	vst v63  }
0x9e: {  	_ = 	snop  }
0x9f: {  	[tilespmem:s17], [sflag:$0x1] =	stream.indirect_vreg.gather [hbm4b:s2+s3], $0x80, v3, vm0, $0xb8;
	[tilespmem:$0x11C00] =	vst v63  }
0xa0: {  	_ = 	snop  }
0xa1: {  	[tilespmem:s18], [sflag:$0x1] =	stream.indirect_vreg.gather [hbm4b:s6+s3], $0x80, v3, vm0, $0xb8;
	[tilespmem:$0x11C00] =	vst v63  }
0xa2: {  	_ = 	snop  }
0xa3: {  	[tilespmem:s19], [sflag:$0x1] =	stream.indirect_vreg.gather [hbm4b:s7+s3], $0x80, v3, vm0, $0xb8;
	[tilespmem:$0x11C00] =	vst v63  }
0xa4: {  	_ = 	snop  }
0xa5: {  	[tilespmem:s20], [sflag:$0x1] =	stream.indirect_vreg.gather [hbm4b:s8+s3], $0x80, v3, vm0, $0xb8;
	[tilespmem:$0x11C00] =	vst v63  }
0xa6: {  	_ =	swait.ge [sflag:s24], $0x8000  }
0xa7: {  	s30 =	rddreg [dreg:$0x3];
	[sflag:s24] =	ssyncset.done $0x0  }
0xa8: {  	s9 =	simm.s32 $0x9C00;
	[sflag:s24] =	ssyncadd.s32 $0xFFFF8000;
	s30 =	sadd.s32 s29, s30  }
0xa9: {  	[hbm4b:s30+s3] =	stream.linear.scatter [tilespmem:s9], [sflag:$0x4], $0x8000, $0x38;
	[tilespmem:$0x11C00] =	vst v63  }
0xaa: {  	_ =	swait.ge [sflag:s25], $0x8000  }
0xab: {  	[sflag:s25] =	ssyncset.done $0x0  }
0xac: {  	[sflag:s25] =	ssyncadd.s32 $0xFFFF8000  }
0xad: {  	v3 =	vld [tilespmem:s26+$0xFFFFFFF0];
	_ =	sdelay $0x4  }
0xae: {  	v62 =	vshll.u32 v3, $0x3  }
0xaf: {  	v3 =	vand.u32 $0x7, v3;
	v4 =	vand.u32 $0xFFFFFFC0, v62  }
0xb0: {  	v3 =	vor.u32 v3, v4  }
0xb1: {  	v4 =	vperm.xlane v3, v0;
	_ =	sdelay $0x1  }
0xb2: {  	v4 =	vadd.s32 v1, v4;
	_ =	sdelay $0x4  }
0xb3: {  	[tilespmem:s9], [sflag:$0x2] =	stream.indirect_vreg.gather [hbm4b:s2+s3], $0x80, v4, vm0, $0xb8;
	[tilespmem:$0x11C00] =	vst v63  }
0xb4: {  	v3 =	vperm.xlane v3, v2  }
0xb5: {  	[tilespmem:s21], [sflag:$0x2] =	stream.indirect_vreg.gather [hbm4b:s6+s3], $0x80, v4, vm0, $0xb8;
	[tilespmem:$0x11C00] =	vst v63  }
0xb6: {  	v3 =	vadd.s32 v1, v3  }
0xb7: {  	[tilespmem:s4], [sflag:$0x2] =	stream.indirect_vreg.gather [hbm4b:s7+s3], $0x80, v4, vm0, $0xb8;
	[tilespmem:$0x11C00] =	vst v63  }
0xb8: {  	_ = 	snop  }
0xb9: {  	[tilespmem:s0], [sflag:$0x2] =	stream.indirect_vreg.gather [hbm4b:s8+s3], $0x80, v4, vm0, $0xb8;
	[tilespmem:$0x11C00] =	vst v63  }
0xba: {  	_ = 	snop  }
0xbb: {  	[tilespmem:s31], [sflag:$0x2] =	stream.indirect_vreg.gather [hbm4b:s2+s3], $0x80, v3, vm0, $0xb8;
	[tilespmem:$0x11C00] =	vst v63  }
0xbc: {  	s9 =	simm.s32 $0xC400  }
0xbd: {  	[tilespmem:s9], [sflag:$0x2] =	stream.indirect_vreg.gather [hbm4b:s6+s3], $0x80, v3, vm0, $0xb8;
	[tilespmem:$0x11C00] =	vst v63  }
0xbe: {  	s9 =	simm.s32 $0xCC00  }
0xbf: {  	[tilespmem:s9], [sflag:$0x2] =	stream.indirect_vreg.gather [hbm4b:s7+s3], $0x80, v3, vm0, $0xb8;
	[tilespmem:$0x11C00] =	vst v63  }
0xc0: {  	s9 =	simm.s32 $0xD400  }
0xc1: {  	[tilespmem:s9], [sflag:$0x2] =	stream.indirect_vreg.gather [hbm4b:s8+s3], $0x80, v3, vm0, $0xb8;
	[tilespmem:$0x11C00] =	vst v63  }
0xc2: {  	v3 =	vld [tilespmem:s26+$0x0];
	_ =	sdelay $0x4  }
0xc3: {  	v63 =	vshll.u32 v3, $0x3  }
0xc4: {  	v3 =	vand.u32 $0x7, v3;
	v4 =	vand.u32 $0xFFFFFFC0, v63  }
0xc5: {  	v3 =	vor.u32 v3, v4  }
0xc6: {  	v4 =	vperm.xlane v3, v0;
	_ =	sdelay $0x1  }
0xc7: {  	v4 =	vadd.s32 v1, v4;
	_ =	sdelay $0x3  }
0xc8: {  	s9 =	simm.s32 $0xDC00  }
0xc9: {  	[tilespmem:s9], [sflag:$0x2] =	stream.indirect_vreg.gather [hbm4b:s2+s3], $0x80, v4, vm0, $0xb8;
	[tilespmem:$0x11C00] =	vst v63  }
0xca: {  	v3 =	vperm.xlane v3, v2;
	s9 =	simm.s32 $0xE400  }
0xcb: {  	[tilespmem:s9], [sflag:$0x2] =	stream.indirect_vreg.gather [hbm4b:s6+s3], $0x80, v4, vm0, $0xb8;
	[tilespmem:$0x11C00] =	vst v63  }
0xcc: {  	v3 =	vadd.s32 v1, v3;
	s9 =	simm.s32 $0xEC00  }
0xcd: {  	[tilespmem:s9], [sflag:$0x2] =	stream.indirect_vreg.gather [hbm4b:s7+s3], $0x80, v4, vm0, $0xb8;
	[tilespmem:$0x11C00] =	vst v63  }
0xce: {  	s9 =	simm.s32 $0xF400  }
0xcf: {  	[tilespmem:s9], [sflag:$0x2] =	stream.indirect_vreg.gather [hbm4b:s8+s3], $0x80, v4, vm0, $0xb8;
	[tilespmem:$0x11C00] =	vst v63  }
0xd0: {  	s9 =	simm.s32 $0xFC00  }
0xd1: {  	[tilespmem:s9], [sflag:$0x2] =	stream.indirect_vreg.gather [hbm4b:s2+s3], $0x80, v3, vm0, $0xb8;
	[tilespmem:$0x11C00] =	vst v63  }
0xd2: {  	s9 =	simm.s32 $0x10400  }
0xd3: {  	[tilespmem:s9], [sflag:$0x2] =	stream.indirect_vreg.gather [hbm4b:s6+s3], $0x80, v3, vm0, $0xb8;
	[tilespmem:$0x11C00] =	vst v63  }
0xd4: {  	s9 =	simm.s32 $0x10C00  }
0xd5: {  	[tilespmem:s9], [sflag:$0x2] =	stream.indirect_vreg.gather [hbm4b:s7+s3], $0x80, v3, vm0, $0xb8;
	[tilespmem:$0x11C00] =	vst v63  }
0xd6: {  	p0 =	sne.s32 s29, $0x2E000;
	s9 =	simm.s32 $0x11400  }
0xd7: {  	[tilespmem:s9], [sflag:$0x2] =	stream.indirect_vreg.gather [hbm4b:s8+s3], $0x80, v3, vm0, $0xb8;
	[tilespmem:$0x11C00] =	vst v63  }
.Ltmp0:
0xd8: {  	_ =	swait.ge [sflag:s22], $0x8000;
	(pc) =	sbr.rel @p0 .LBB2_2-.Ltmp0, $4  }
0xd9: {  	s5 =	simm.s32 $0x9C00;
	s30 =	sshrl.u32 s28, $0x3;
	[sflag:s22] =	ssyncset.done $0x0  }
0xda: {  	s29 =	sadd.s32 $0x2000, s29;
	s30 =	sadd.s32 s14, s30;
	[sflag:s22] =	ssyncadd.s32 $0xFFFF8000  }
0xdb: {  	[hbm4b:s30+s3] =	stream.linear.scatter [tilespmem:s1], [sflag:$0x3], $0x8000, $0x38;
	[tilespmem:$0x11C00] =	vst v63  }
0xdc: {  	s28 =	sadd.s32 $0x10000, s28;
	s26 =	sadd.s32 $0x100, s26;
	s30 =	simm.s32 $0x2400  }
0xdd: {  	_ =	swait.ge [sflag:s24], $0x8000  }
0xde: {  	[sflag:s24] =	ssyncset.done $0x0  }
0xdf: {  	s26 =	rddreg [dreg:$0x7];
	[sflag:s24] =	ssyncadd.s32 $0xFFFF8000  }
0xe0: {  	[hbm4b:s26+s3] =	stream.linear.scatter [tilespmem:s5], [sflag:$0x4], $0x8000, $0x38;
	[tilespmem:$0x11C00] =	vst v63  }
0xe1: {  	_ =	swait.ge [sflag:s23], $0x8000  }
0xe2: {  	[sflag:s23] =	ssyncset.done $0x0  }
0xe3: {  	s1 =	simm.s32 $0x2C00;
	[sflag:s23] =	ssyncadd.s32 $0xFFFF8000  }
0xe4: {  	s31 =	simm.s32 $0x3C00;
	s9 =	simm.s32 $0x4400;
	_ =	swait.ge [sflag:s25], $0x8000  }
0xe5: {  	s10 =	simm.s32 $0x4C00;
	s11 =	simm.s32 $0x5400;
	s0 =	rddreg [dreg:$0xa]  }
0xe6: {  	s12 =	simm.s32 $0x5C00;
	s21 =	rddreg [dreg:$0x5];
	s0 =	sadd.s32 $0x1, s0  }
0xe7: {  	s13 =	simm.s32 $0x6400;
	s15 =	simm.s32 $0x6C00;
	p0 =	sne.s32 s0, s21  }
.Ltmp1:
0xe8: {  	s16 =	simm.s32 $0x7400;
	s17 =	simm.s32 $0x7C00;
	(pc) =	sbr.rel @p0 .LBB2_1-.Ltmp1, $4  }
0xe9: {  	s18 =	simm.s32 $0x8400;
	s19 =	simm.s32 $0x8C00;
	s20 =	simm.s32 $0x9400  }
0xea: {  	s4 =	simm.s32 $0xAC00;
	s14 =	simm.s32 $0x1C00;
	[sflag:s25] =	ssyncset.done $0x0  }
0xeb: {  	s28 =	simm.s32 $0xB400;
	s29 =	simm.s32 $0xBC00;
	[sflag:s25] =	ssyncadd.s32 $0xFFFF8000  }
0xec: {  	[dreg:$0xa] =	wrdreg s0;
	s0 =	simm.s32 $0x3400;
	s21 =	simm.s32 $0xA400  }
0xed: {  	_ =	sfence.sel $0x180000  }
0xee: {  	[bflag:$0x0] =	sbarrier.arrive $0xFFFF  }
0xef: {  	_ =	strace $0x90000047  }
0xf0: {  	s0 =	stileid.u32;
	[bflag:$0x2] =	sbarrier.arrive $0xFFFF  }
0xf1: {  	p0 =	sne.s32 s0, $0x0;
	s0 =	rddreg [dreg:$0x2]  }
0xf2: {  	s0 =	sadd.s32 @!p0 $0x100000, s0  }
0xf3: {  	[sflag:s0] =	ssyncadd.tile.s32 @!p0 $0x1;
	_ =	shalt  }
.Lfunc_end2:
_tile_overlayer_lowered:
.L_overlay_start_2:
0xf4: {  	(tag) =	ssettag $0x2  }
0xf5: {  	s0 =	rddreg [dreg:$0x0];
	s2 =	stileid.u32  }
0xf6: {  	s1 =	rddreg [dreg:$0x1];
	p0 =	sne.s32 s2, $0x0  }
0xf7: {  	s3 =	rddreg [dreg:$0x2];
	[bflag:$0x3] =	sbarrier.arrive $0xFFFF;
	s2 =	simm.s32 @!p0 $0x1C05  }
0xf8: {  	[timem:s3], [sflag:s2] =	dma.local @!p0 [hbm:s0], s1  }
0xf9: {  	s0 =	simm.s32 @!p0 $0x5  }
0xfa: {  	_ =	swait.ge @!p0 [sflag:s0], s1  }
0xfb: {  	s1 =	ssub.s32 @!p0 $0x0, s1;
	[sflag:s0] =	ssyncset.done @!p0 $0x0  }
0xfc: {  	[sflag:s0] =	ssyncadd.s32 @!p0 s1  }
0xfd: {  	[bflag:$0x3] =	sbarrier.arrive $0xFFFF  }
0xfe: {  	_ =	shalt  }

// kernel: sparse-core-data-format-call.cloned.1.call-start
scs
called_computation_lowered:
.L_overlay_start_0:
0x0: {  	s2 =	sld [smem:$0x3FD9]  }
0x1: {  	s3 =	sld [smem:$0x3FFE];
	_ =	sdelay $0x1  }
0x2: {  	s1 =	srdreg.scid  }
0x3: {  	s0 =	sand.u32 $0x1, s1  }
0x4: {  	s18 =	sshll.u32 s0, $0xA;
	s2 =	sadd.s32 s3, s2  }
0x5: {  	s2 =	sadd.s32 s2, s18  }
0x6: {  	[smem:$0x3FC6] =	sst s2  }
0x7: {  	_ = 	snop  }
0x8: {  	s2 =	sld [smem:$0x3FD0];
	(tm) =	ssettm $0x1  }
0x9: {  	s19 =	sld [smem:$0x3FFB];
	_ =	sdelay $0x3  }
0xa: {  	_ =	strace s19  }
0xb: {  	s3 =	sld [smem:$0x3FFC];
	_ =	sdelay $0x3  }
0xc: {  	_ =	strace s3  }
0xd: {  	s3 =	sld [smem:$0x3FFD];
	_ =	sdelay $0x3  }
0xe: {  	_ =	strace s3  }
0xf: {  	_ =	strace $0x8FFFFFFF  }
0x10: {  	s20 =	sld [smem:$0x3FDB];
	_ =	sdelay $0x1  }
0x11: {  	s4 =	simm.s32 $_scs_section_size  }
0x12: {  	s5 =	simm.s32 $_size__tile_overlayer_lowered;
	s6 =	simm.s32 $_tile_overlayer_lowered  }
0x13: {  	s23 =	simm.s32 $0x1BFF;
	s22 =	sshll.u32 s6, $0x1;
	s3 =	sadd.s32 s4, s20  }
0x14: {  	s7 =	simm.s32 $0x0;
	s21 =	sshll.u32 s5, $0x1;
	s5 =	sadd.s32 s22, s3  }
0x15: {  	[timem:s7], [sflag:s23] =	dma.local [hbm:s5], s21  }
0x16: {  	_ =	swait.ge [sflag:s23], s21  }
0x17: {  	s4 =	ssub.s32 $0x0, s21;
	[sflag:s23] =	ssyncset.done $0x0  }
0x18: {  	[sflag:s23] =	ssyncadd.s32 s4;
	_ =	sdelay $0x1  }
0x19: {  	s24 =	simm.s32 $0x1B8B  }
0x1a: {  	_ =	swait.ge [sflag:s24], $0x1  }
0x1b: {  	[sflag:s24] =	ssyncset.done $0x0  }
0x1c: {  	s26 =	simm.s32 $0x1B8E;
	s25 =	sld [smem:$0x3FFE];
	[sflag:s24] =	ssyncadd.s32 $0xFFFFFFFF  }
0x1d: {  	s27 =	simm.s32 $execute0_lowered;
	[smem:$0x3FD2] =	sst s26  }
0x1e: {  	s5 =	sshll.u32 s27, $0x1;
	_ =	strace $0x80000049;
	[dreg:$0x1] =	wrdreg $0xFFFFFFFF  }
0x1f: {  	s28 =	simm.s32 $_size_execute0_lowered;
	s3 =	sadd.s32 s3, s5;
	[dreg:$0x0] =	wrdreg $0x0  }
0x20: {  	s5 =	sshll.u32 s28, $0x1;
	[dreg:$0x2] =	wrdreg s3  }
0x21: {  	[dreg:$0x3] =	wrdreg s5  }
0x22: {  	[dreg:$0x4] =	wrdreg $0xC0  }
0x23: {  	_ =	task [dreg:s7], $0x5FFFF  }
0x24: {  	[dreg:$0x1] =	wrdreg $0xFFFFFFFF  }
0x25: {  	[dreg:$0x0] =	wrdreg $0x60  }
0x26: {  	[dreg:$0x2] =	wrdreg s25  }
0x27: {  	[dreg:$0x3] =	wrdreg s2  }
0x28: {  	[dreg:$0x4] =	wrdreg $0x9  }
0x29: {  	_ =	task.clear_ibuf [dreg:s7], $0x5FFFF;
	_ =	strace $0x90000049  }
0x2a: {  	s29 =	simm.s32 $0x9;
	_ =	strace $0x8000004B  }
0x2b: {  	_ =	swait.ge [sflag:s29], $0x1  }
0x2c: {  	[sflag:s29] =	ssyncadd.s32 $0xFFFFFFFF  }
0x2d: {  	_ =	strace $0x9000004B  }
0x2e: {  	_ =	sfence  }
0x2f: {  	s30 =	sld [smem:$0x0];
	_ =	sdelay $0x2  }
0x30: {  	s31 =	sshll.u32 s1, $0xD;
	s1 =	sshrl.u32 s1, $0x2  }
0x31: {  	s3 =	sand.u32 $0x4000, s31;
	s1 =	sadd.s32 s1, s30  }
0x32: {  	s0 =	sor.u32 s3, s0;
	s1 =	sshll.u32 s1, $0x11  }
0x33: {  	s0 =	sor.u32 s1, s0  }
0x34: {  	s0 =	sadd.s32 $0x8F2B, s0  }
0x35: {  	[sflag:s0] =	ssyncadd.remote.s32 $0x1  }
0x36: {  	_ =	sfence.sel $0xFFFF  }
0x37: {  	[dreg:$0x0] =	wrdreg $0xFFFFFFFF;
	(pc) =	sbr.abs _section_cstart, $3  }
0x38: {  	[dreg:$0x1] =	wrdreg $0xFFFFFFFF  }
0x39: {  	_ =	task.clear_ibuf [dreg:s7], $0x2FFFF;
	_ =	strace $0x9FFFFFFF  }
0x3a: {  	(tm) =	ssettm $0x7FFFFFFF  }
0x3b: {  	_ =	shalt  }
tec
execute0_lowered:
.L_overlay_start_1:
0x0: {  	(tag) =	ssettag $0x1  }
0x1: {  	s4 =	rddreg [dreg:$0x0]  }
0x2: {  	s2 =	rddreg [dreg:$0x1];
	s1 =	stileid.u32  }
0x3: {  	s3 =	srdreg.scid;
	s0 =	rddreg [dreg:$0x2];
	_ =	strace $0x8000004A  }
0x4: {  	s10 =	simm.s32 $0x2;
	s14 =	simm.s32 $0x0;
	s16 =	simm.s32 $0x0  }
0x5: {  	s12 =	simm.s32 $0x0;
	s15 =	simm.s32 $0x0;
	s3 =	sshll.u32 s3, $0x4  }
0x6: {  	s5 =	sshll.u32 s1, $0x7;
	s4 =	sadd.s32 $0x7800, s4;
	s6 =	sand.u32 $0x10, s3  }
0x7: {  	s3 =	sand.u32 $0x180, s5;
	s5 =	simm.s32 $0x1;
	s8 =	sor.u32 s1, s6  }
0x8: {  	s31 =	ssub.s32 $0xC800, s3;
	[sflag:s5] =	ssyncpa.u1 $0x0;
	s13 =	smov.u32 s3  }
.Ltmp0:
0x9: {  	s7 =	sshll.u32 s8, $0x5;
	s9 =	sand.u32 $0x180, s31;
	(pc) =	sbr.rel .LBB1_1-.Ltmp0, $4  }
0xa: {  	s11 =	sshrl.u32 s31, $0x9;
	p0 =	sne.s32 s9, $0x0;
	s9 =	simm.s32 $0x1  }
0xb: {  	[sflag:s10] =	ssyncpa.u1 $0x0;
	s8 =	sshll.u32 s8, $0x8;
	s9 =	simm.s32 @!p0 $0x0  }
0xc: {  	s10 =	simm.s32 $0x64000;
	s6 =	sand.u32 $0x380, s7;
	s7 =	sadd.s32 s9, s11  }
0xd: {  	p0 =	por $0x0, $0x0;
	s11 =	simm.s32 $0x0;
	s9 =	sadd.s32 $0x1, s7  }
.LBB1_4:
0xe: {  	s22 =	sshrl.u32 s11, $0x3  }
0xf: {  	s23 =	sshll.u32 s12, $0x3;
	s24 =	sand.u32 $0x7F, s12;
	s22 =	smul.u32 $0x64000, s22  }
0x10: {  	v5 =	vld [tilespmem:s18+$0xFFFFFFD0];
	s21 =	sshra.s32 s21, $0x2;
	s25 =	sshra.s32 s12, $0x1F;
	s23 =	sand.u32 $0xFFFFFC00, s23  }
0x11: {  	[tilespmem:s20+$0x2040 ss:$0x81] =	vst.msk $0xffff, v4;
	v58 =	vld [tilespmem:s18+$0xFFFFFFE0];
	p1 =	sgt.s32 s12, $0xC780;
	s25 =	sand.u32 s25, s12;
	s22 =	sadd.s32 s23, s22  }
0x12: {  	[tilespmem:s20+$0x2850 ss:$0x81] =	vst.msk $0xffff, v3;
	v59 =	vld [tilespmem:s18+$0xFFFFFFF0];
	s23 =	sor.u32 s24, s22;
	s22 =	smulhi.u32 $0x51EB851F, s22;
	s24 =	smov.u32 s12  }
0x13: {  	[tilespmem:s20+$0x3060 ss:$0x81] =	vst.msk $0xffff, v2;
	v60 =	vld [tilespmem:s18+$0x0];
	s19 =	sadd.s32 s21, s19;
	s26 =	smulhi.u32 $0x51EB851F, s23;
	s24 =	simm.s32 @!p1 $0xC780  }
0x14: {  	[tilespmem:s20+$0x0 ss:$0x81] =	vst.msk $0xffff, v0;
	v61 =	vld [tilespmem:s18+$0x10];
	p1 =	sgt.s32 s11, $0x368;
	s28 =	sshrl.u32 s22, $0xE;
	s29 =	ssub.s32 s24, s25  }
0x15: {  	[tilespmem:s19+$0x3870 ss:$0x81] =	vst.msk $0xffff, v1;
	s30 =	sshrl.u32 s26, $0xE;
	s31 =	smulhi.u32 $0x418938, s28;
	s25 =	sadd.s32 $0xFFFF3880, s29  }
0x16: {  	v62 =	vld [tilespmem:s18+$0x20];
	[tilespmem:s19+$0x810 ss:$0x81] =	vst.msk $0xffff, v5;
	s22 =	smul.u32 $0xC800, s30;
	p2 =	sgt.s32 s25, $0x7F;
	s25 =	smov.u32 s11  }
0x17: {  	v63 =	vld [tilespmem:s18+$0xFFFFFFC0];
	[tilespmem:s19+$0x1020 ss:$0x81] =	vst.msk $0xffff, v58;
	s21 =	ssub.s32 $0xC800, s29;
	s25 =	simm.s32 @!p1 $0x368;
	s26 =	smul.u32 $0x3E8, s31  }
0x18: {  	[tilespmem:s19+$0x1830 ss:$0x81] =	vst.msk $0xffff, v59;
	s21 =	simm.s32 @p2 $0x0;
	s27 =	ssub.s32 $0x3E8, s25  }
0x19: {  	[tilespmem:s19+$0x2040 ss:$0x81] =	vst.msk $0xffff, v60;
	s22 =	ssub.s32 s23, s22;
	s18 =	ssub.s32 s28, s26;
	s28 =	smul.u32 s27, s21  }
0x1a: {  	[tilespmem:s19+$0x2850 ss:$0x81] =	vst.msk $0xffff, v61;
	s29 =	sshrl.u32 s22, $0x3;
	s22 =	sand.u32 $0x7, s22;
	s18 =	smul.u32 $0x1900, s18  }
0x1b: {  	[tilespmem:s19+$0x3060 ss:$0x81] =	vst.msk $0xffff, v62;
	s21 =	sadd.s32 s2, s29;
	s22 =	sshll.u32 s22, $0x12  }
0x1c: {  	[tilespmem:s19+$0x0 ss:$0x81] =	vst.msk $0xffff, v63;
	s30 =	sand.u32 $0x3FFFFFF8, s28;
	s31 =	sor.u32 $0x400, s22;
	s18 =	sadd.s32 s18, s21  }
0x1d: {  	[hbm4b:s18+s31] =	stream.strided.scatter [tilespmem:s17], [sflag:$0x2], s30, s10, s31, $0x20;
	[tilespmem:$0x10100] =	vst v63  }
.LBB1_5:
0x1e: {  	p1 =	slt.u32 s15, $0x2  }
0x1f: {  	p2 =	sgt.s32 @!p1 s16, $0xC780  }
0x20: {  	s17 =	smov.u32 s16;
	s18 =	sshra.s32 @!p1 s16, $0x1F;
	p2 =	por !p2, p1  }
0x21: {  	s16 =	sand.u32 @!p1 s18, s16;
	s17 =	simm.s32 @p2 $0xC780  }
0x22: {  	s16 =	ssub.s32 @!p1 s17, s16  }
0x23: {  	p2 =	sgt.s32 @!p1 s14, $0x368;
	s17 =	sadd.s32 @!p1 $0xFFFF3880, s16  }
0x24: {  	s18 =	sadd.s32 $0x200, s13;
	p2 =	por !p2, p1;
	p3 =	sgt.s32 @!p1 s17, $0x7F  }
0x25: {  	s14 =	simm.s32 @p2 $0x368;
	s16 =	ssub.s32 @!p1 $0xC800, s16;
	p2 =	por !p3, p1  }
0x26: {  	s14 =	ssub.s32 @!p1 $0x3E8, s14;
	s16 =	simm.s32 @!p2 $0x0;
	p2 =	sgt.s32 s18, $0xC7FF  }
0x27: {  	s14 =	smul.u32 @!p1 s14, s16;
	s18 =	smov.u32 @p2 s3;
	p2 =	sne.s32 s15, s9  }
.Ltmp1:
0x28: {  	s20 =	sadd.s32 $0x1, s15;
	p0 =	por !p0, !p0;
	(pc) =	sbr.rel @!p2 .LBB1_6-.Ltmp1, $4  }
0x29: {  	s17 =	simm.s32 @!p1 $0x2;
	s16 =	smov.u32 s12;
	s14 =	sand.u32 @!p1 $0x3FFFFFFF, s14  }
0x2a: {  	s12 =	smov.u32 s13;
	s15 =	smov.u32 s20;
	_ =	swait.ge @!p1 [sflag:s17], s14  }
0x2b: {  	s13 =	smov.u32 s18;
	s19 =	ssub.s32 @!p1 $0x0, s14;
	[sflag:s17] =	ssyncset.done @!p1 $0x0  }
0x2c: {  	s14 =	smov.u32 s11;
	s11 =	smov.u32 s6;
	[sflag:s17] =	ssyncadd.s32 @!p1 s19  }
.LBB1_1:
0x2d: {  	p1 =	sge.u32 s15, s7  }
0x2e: {  	s17 =	sshll.u32 @!p1 s13, $0xA  }
0x2f: {  	s17 =	sand.u32 @!p1 $0xFFFFE000, s17  }
0x30: {  	s17 =	sor.u32 @!p1 s8, s17  }
0x31: {  	s17 =	sshrl.u32 @!p1 s17, $0xA  }
0x32: {  	s18 =	smulhi.u32 @!p1 $0x28F5C3, s17;
	_ =	sdelay $0x1  }
0x33: {  	s18 =	sshrl.u32 @!p1 s18, $0x5  }
0x34: {  	s18 =	smul.u32 @!p1 $0xC800, s18  }
0x35: {  	s31 =	sadd.s32 $0xFFFFFFFF, s15;
	s19 =	sxor.u32 @!p1 $0xFFFFFFFF, s15;
	s20 =	sshll.u32 @!p1 s13, $0x4  }
0x36: {  	s19 =	sshll.u32 @!p1 s19, $0xE;
	s17 =	ssub.s32 @!p1 s17, s18;
	s18 =	sand.u32 @!p1 $0x70, s20  }
0x37: {  	s19 =	sand.u32 @!p1 $0x4000, s19;
	s17 =	sshll.u32 @!p1 s17, $0x7;
	s18 =	sadd.s32 @!p1 s4, s18  }
0x38: {  	s20 =	simm.s32 @!p1 $0x2000;
	s17 =	sadd.s32 @!p1 s17, s18;
	s18 =	simm.s32 @!p1 $0x400  }
0x39: {  	[tilespmem:s19], [sflag:$0x1] =	stream.strided.gather @!p1 [hbm4b:s17+s18], $0x4000, s20, s18, $0x38;
	[tilespmem:$0x10100] =	vst v63  }
0x3a: {  	p1 =	sge.u32 s31, s7  }
.Ltmp2:
0x3b: {  	_ = 	snop;
	(pc) =	sbr.rel @p1 .LBB1_5-.Ltmp2, $1  }
0x3c: {  	_ =	sdelay $0x3  }
0x3d: {  	s17 =	simm.s32 $0x1  }
0x3e: {  	_ =	swait.ge [sflag:s5], $0x4000;
	s17 =	simm.s32 @!p0 $0x0  }
0x3f: {  	[sflag:s5] =	ssyncset.done $0x0;
	s18 =	sshll.u32 s17, $0xE  }
0x40: {  	[sflag:s5] =	ssyncadd.s32 $0xFFFFC000;
	s18 =	sor.u32 $0x40, s18  }
0x41: {  	s17 =	smul.u32 $0x10200, s17;
	v0 =	vld [tilespmem:s18+$0x30]  }
0x42: {  	v1 =	vld [tilespmem:s18+$0xFFFFFFD0]  }
0x43: {  	s17 =	sshrl.u32 s17, $0x2;
	v5 =	vld [tilespmem:s18+$0xFFFFFFE0]  }
0x44: {  	v6 =	vld [tilespmem:s18+$0xFFFFFFF0];
	s19 =	sor.u32 $0x8000, s17  }
0x45: {  	s31 =	sand.u32 $0x1, s15;
	v4 =	vld [tilespmem:s18+$0x0];
	s20 =	sadd.s32 $0x0, s19  }
0x46: {  	v3 =	vld [tilespmem:s18+$0x10];
	s17 =	smul.u32 $0x10200, s31;
	[tilespmem:s20+$0x3870 ss:$0x81] =	vst.msk $0xffff, v0  }
0x47: {  	v2 =	vld [tilespmem:s18+$0x20];
	[tilespmem:s20+$0x810 ss:$0x81] =	vst.msk $0xffff, v1  }
0x48: {  	s17 =	sshrl.u32 s17, $0x2;
	v0 =	vld [tilespmem:s18+$0xFFFFFFC0];
	[tilespmem:s20+$0x1020 ss:$0x81] =	vst.msk $0xffff, v5;
	s18 =	sadd.s32 $0x80, s18  }
0x49: {  	s21 =	simm.s32 $0x4;
	s22 =	simm.s32 $0x8;
	s17 =	sor.u32 $0x8000, s17;
	[tilespmem:s20+$0x1830 ss:$0x81] =	vst.msk $0xffff, v6;
	v1 =	vld [tilespmem:s18+$0x30]  }
.LBB1_3:
0x4a: {  	p1 =	sne.s32 s22, $0x1FC;
	v5 =	vld [tilespmem:s18+$0xFFFFFFD0];
	[tilespmem:s20+$0x2040 ss:$0x81] =	vst.msk $0xffff, v4  }
0x4b: {  	v6 =	vld [tilespmem:s18+$0xFFFFFFE0];
	[tilespmem:s20+$0x2850 ss:$0x81] =	vst.msk $0xffff, v3  }
0x4c: {  	s23 =	sshra.s32 s21, $0x2;
	s21 =	smov.u32 s22;
	v7 =	vld [tilespmem:s18+$0xFFFFFFF0];
	[tilespmem:s20+$0x3060 ss:$0x81] =	vst.msk $0xffff, v2  }
.Ltmp3:
0x4d: {  	v4 =	vld [tilespmem:s18+$0x0];
	[tilespmem:s20+$0x0 ss:$0x81] =	vst.msk $0xffff, v0;
	s20 =	sadd.s32 s23, s19;
	(pc) =	sbr.rel @p1 .LBB1_3-.Ltmp3, $4  }
0x4e: {  	v3 =	vld [tilespmem:s18+$0x10];
	[tilespmem:s20+$0x3870 ss:$0x81] =	vst.msk $0xffff, v1  }
0x4f: {  	[tilespmem:s20+$0x810 ss:$0x81] =	vst.msk $0xffff, v5;
	v2 =	vld [tilespmem:s18+$0x20]  }
0x50: {  	v0 =	vld [tilespmem:s18+$0xFFFFFFC0];
	[tilespmem:s20+$0x1020 ss:$0x81] =	vst.msk $0xffff, v6;
	s18 =	sadd.s32 $0x80, s18  }
0x51: {  	s22 =	sadd.s32 $0x4, s22;
	v1 =	vld [tilespmem:s18+$0x30];
	[tilespmem:s20+$0x1830 ss:$0x81] =	vst.msk $0xffff, v7  }
.Ltmp4:
0x52: {  	_ = 	snop;
	(pc) =	sbr.rel .LBB1_4-.Ltmp4, $1  }
0x53: {  	_ =	sdelay $0x3  }
.LBB1_6:
0x54: {  	_ =	sfence.sel $0x180000  }
0x55: {  	s2 =	simm.s32 $0x1;
	[bflag:$0x0] =	sbarrier.arrive $0xFFFF  }
0x56: {  	s31 =	simm.s32 $0x2;
	[sflag:s2] =	ssyncpa.u1 $0x1  }
0x57: {  	[sflag:s31] =	ssyncpa.u1 $0x1  }
0x58: {  	p0 =	sne.s32 s1, $0x0;
	_ =	strace $0x9000004A  }
0x59: {  	s0 =	sadd.s32 @!p0 $0x100000, s0;
	[bflag:$0x2] =	sbarrier.arrive $0xFFFF  }
0x5a: {  	[sflag:s0] =	ssyncadd.tile.s32 @!p0 $0x1;
	_ =	shalt  }
.Lfunc_end1:
_tile_overlayer_lowered:
.L_overlay_start_2:
0x5b: {  	(tag) =	ssettag $0x2  }
0x5c: {  	s0 =	rddreg [dreg:$0x0];
	s2 =	stileid.u32  }
0x5d: {  	s1 =	rddreg [dreg:$0x1];
	p0 =	sne.s32 s2, $0x0  }
0x5e: {  	s3 =	rddreg [dreg:$0x2];
	[bflag:$0x3] =	sbarrier.arrive $0xFFFF;
	s2 =	simm.s32 @!p0 $0x1C01  }
0x5f: {  	[timem:s3], [sflag:s2] =	dma.local @!p0 [hbm:s0], s1  }
0x60: {  	s0 =	simm.s32 @!p0 $0x1  }
0x61: {  	_ =	swait.ge @!p0 [sflag:s0], s1  }
0x62: {  	s1 =	ssub.s32 @!p0 $0x0, s1;
	[sflag:s0] =	ssyncset.done @!p0 $0x0  }
0x63: {  	[sflag:s0] =	ssyncadd.s32 @!p0 s1  }
0x64: {  	[bflag:$0x3] =	sbarrier.arrive $0xFFFF  }
0x65: {  	_ =	shalt  }

</sc_bundles>
